<compile_context>
chip_gen: v7x
topology: tpu7x:2x2x1
jax: 0.10.2.dev20260603
libtpu: 0.0.44.dev20260713+nightly
codegen_flags: <defaults>
</compile_context>

<pallas_src>
import functools

import jax
import jax.numpy as jnp
from jax import lax
from jax.experimental import pallas as pl
from jax.experimental.pallas import tpu as pltpu
from jax.experimental.pallas import tpu_sc as plsc

_NC = 2
_NS = 16
_L = 16
_NW = _NC * _NS
_SUB = 4
_UNROLL = 8


@functools.lru_cache(maxsize=None)
def _make_hist_kernel(n: int):
    chunk = n // _NW
    sub = chunk // _SUB
    mesh = plsc.VectorSubcoreMesh(
        core_axis_name="c", subcore_axis_name="s", num_cores=_NC,
        num_subcores=_NS)

    @functools.partial(
        pl.kernel,
        out_type=jax.ShapeDtypeStruct((2 * _NW * _L,), jnp.float32),
        mesh=mesh,
        compiler_params=pltpu.CompilerParams(needs_layout_passes=False),
        scratch_types=[
            pltpu.VMEM((chunk,), jnp.int32),
            pltpu.VMEM((chunk,), jnp.int32),
            pltpu.VMEM((2 * _L * _L,), jnp.float32),
            pltpu.VMEM((_L,), jnp.float32),
            pltpu.SemaphoreType.DMA((_SUB,)),
        ],
    )
    def hist_kernel(preds_hbm, attrs_hbm, out_hbm, preds_v, attrs_v, hist_v,
                    row_v, sems):
        c = lax.axis_index("c")
        s = lax.axis_index("s")
        wid = s * _NC + c
        base = wid * chunk

        descs = []
        for g in range(_SUB):
            src_p = preds_hbm.at[pl.ds(base + g * sub, sub)]
            src_a = attrs_hbm.at[pl.ds(base + g * sub, sub)]
            descs.append(
                (pltpu.async_copy(src_p, preds_v.at[pl.ds(g * sub, sub)],
                                  sems.at[g]),
                 pltpu.async_copy(src_a, attrs_v.at[pl.ds(g * sub, sub)],
                                  sems.at[g])))

        zeros = jnp.zeros((_L,), jnp.float32)
        for i in range(2 * _L):
            hist_v[pl.ds(i * _L, _L)] = zeros

        lane16 = lax.iota(jnp.int32, _L) * _L
        ones = jnp.ones((_L,), jnp.float32)

        for g in range(_SUB):
            descs[g][0].wait()
            descs[g][1].wait()

            @functools.partial(
                plsc.parallel_loop, 0, sub // _L, unroll=_UNROLL)
            def body(i, g=g):
                off = g * sub + i * _L
                p = preds_v[pl.ds(off, _L)]
                a = attrs_v[pl.ds(off, _L)]
                addr = a * 256 + (lane16 + p)
                plsc.addupdate_scatter(hist_v, [addr], ones)

        for a in range(2):
            acc = hist_v[pl.ds(a * 256, _L)]
            for l in range(1, _L):
                acc = acc + hist_v[pl.ds(a * 256 + l * _L, _L)]
            row_v[...] = acc
            pltpu.sync_copy(row_v,
                            out_hbm.at[pl.ds((a * _NW + wid) * _L, _L)])

    return hist_kernel


def _spd_body(x_ref, o_ref):
    h0 = x_ref[pl.ds(0, _L)]
    h1 = x_ref[pl.ds(_NW * _L, _L)]
    for w in range(1, _NW):
        h0 = h0 + x_ref[pl.ds(w * _L, _L)]
        h1 = h1 + x_ref[pl.ds((_NW + w) * _L, _L)]
    n0 = jnp.sum(h0)
    n1 = jnp.sum(h1)
    d = h0 / n0 - h1 / n1
    o_ref[0, 0] = jnp.sum(d * d)


@jax.jit
def kernel(preds, attrs):
    n = preds.shape[0]
    partial = _make_hist_kernel(n)(preds, attrs)
    spd = pl.pallas_call(
        _spd_body,
        out_shape=jax.ShapeDtypeStruct((1, 1), jnp.float32),
        out_specs=pl.BlockSpec(memory_space=pltpu.SMEM),
    )(partial)
    return spd[0, 0]

# --- scband reference (transcript-rebuilt; emitter-appended) ---
"""Pipeline reference for scband-spd-loss-74990128988581 (READ-ONLY COPY).

The authoritative reference and input builder live on the scoring server;
editing this copy changes nothing except your own understanding.
"""

import jax, jax.numpy as jnp
import numpy as np

N = 1048576

def setup_inputs(seed: int = 0) -> dict:
    key = jax.random.key(seed)
    k1, k2 = jax.random.split(key)
    preds = jax.random.randint(k1, (N,), 0, 9, dtype=jnp.int32)
    attrs = jax.random.randint(k2, (N,), 0, 2, dtype=jnp.int32)
    return {"preds": preds, "attrs": attrs}

def reference(preds, attrs):
    # Build the 9x2 joint histogram of (pred_class, attr) via scatter-add.
    predictions = jnp.zeros((9, 2), dtype=jnp.float32).at[preds, attrs].add(1.0)
    n_attr_1 = jnp.sum(attrs != 0).astype(jnp.float32)
    n_attr_0 = jnp.float32(attrs.shape[0]) - n_attr_1
    diff = predictions[:, 0] / n_attr_0 - predictions[:, 1] / n_attr_1
    spd = jnp.sum(jnp.power(diff, 2))
    return spd

if __name__ == "__main__":
    import jax
    _d = setup_inputs()
    print(jax.jit(kernel)(*tuple(_d.values())))

</pallas_src>

<mosaic_0001>
#map = affine_map<(d0, d1) -> (0)>
module attributes {stable_mosaic.version = 14 : i64} {
  func.func @hist_kernel(%arg0: i32, %arg1: i32, %arg2: memref<1048576xi32, #tpu.memory_space<hbm>>, %arg3: memref<1048576xi32, #tpu.memory_space<hbm>>, %arg4: memref<1024xf32, #tpu.memory_space<hbm>>, %arg5: memref<32768xi32, #tpu.memory_space<vmem>>, %arg6: memref<32768xi32, #tpu.memory_space<vmem>>, %arg7: memref<512xf32, #tpu.memory_space<vmem>>, %arg8: memref<16xf32, #tpu.memory_space<vmem>>, %arg9: memref<4x!tpu.dma_semaphore, #tpu.memory_space<semaphore_mem>>) attributes {dimension_semantics = [#tpu.dimension_semantics<core_parallel>, #tpu.dimension_semantics<subcore_parallel>], iteration_bounds = array<i64: 2, 16>, scalar_prefetch = 0 : i64, scratch_operands = 5 : i64, tpu.core_type = #tpu.core_type<sc_vector_subcore>, window_params = [{transform_indices = #map}, {transform_indices = #map}, {transform_indices = #map}]} {
    %mul3A = arith.constant 2 : i32
    %mul3A_0 = arith.muli %arg1, %mul3A : i32
    %add3A = arith.addi %mul3A_0, %arg0 : i32
    %mul3A_1 = arith.constant 32768 : i32
    %mul3A_2 = arith.muli %add3A, %mul3A_1 : i32
    %add3A_3 = arith.constant 0 : i32
    %add3A_4 = arith.addi %mul3A_2, %add3A_3 : i32
    %add3A_5 = arith.constant 0 : i32
    %add3A_6 = arith.addi %mul3A_2, %add3A_5 : i32
    %dma_start3A = arith.constant 0 : i32
    %dma_start3A_7 = arith.constant 0 : i32
    %dma_start3A_8 = tpu.memref_slice %arg5[%dma_start3A_7] : memref<32768xi32, #tpu.memory_space<vmem>> -> memref<8192xi32, #tpu.memory_space<vmem>>
    %dma_start3A_9 = tpu.memref_slice %arg2[%add3A_4] : memref<1048576xi32, #tpu.memory_space<hbm>> -> memref<8192xi32, #tpu.memory_space<hbm>>
    %dma_start3A_10 = tpu.memref_slice %arg9[%dma_start3A] : memref<4x!tpu.dma_semaphore, #tpu.memory_space<semaphore_mem>> -> memref<1x!tpu.dma_semaphore, #tpu.memory_space<semaphore_mem>>
    %dma_start3A_11 = tpu.memref_squeeze %dma_start3A_10 : memref<1x!tpu.dma_semaphore, #tpu.memory_space<semaphore_mem>> -> memref<!tpu.dma_semaphore, #tpu.memory_space<semaphore_mem>>
    %dma_start3A_12 = arith.constant 0 : i32
    %dma_start3A_13 = tpu.memref_slice %arg5[%dma_start3A_12] : memref<32768xi32, #tpu.memory_space<vmem>> -> memref<8192xi32, #tpu.memory_space<vmem>>
    %dma_start3A_14 = tpu.memref_slice %arg2[%add3A_4] : memref<1048576xi32, #tpu.memory_space<hbm>> -> memref<8192xi32, #tpu.memory_space<hbm>>
    tpu.enqueue_dma source(%dma_start3A_14 : memref<8192xi32, #tpu.memory_space<hbm>>) target(%dma_start3A_13 : memref<8192xi32, #tpu.memory_space<vmem>>) target_semaphore(%dma_start3A_11 : memref<!tpu.dma_semaphore, #tpu.memory_space<semaphore_mem>>)
    %dma_start3A_15 = arith.constant 0 : i32
    %dma_start3A_16 = arith.constant 0 : i32
    %dma_start3A_17 = tpu.memref_slice %arg6[%dma_start3A_16] : memref<32768xi32, #tpu.memory_space<vmem>> -> memref<8192xi32, #tpu.memory_space<vmem>>
    %dma_start3A_18 = tpu.memref_slice %arg3[%add3A_6] : memref<1048576xi32, #tpu.memory_space<hbm>> -> memref<8192xi32, #tpu.memory_space<hbm>>
    %dma_start3A_19 = tpu.memref_slice %arg9[%dma_start3A_15] : memref<4x!tpu.dma_semaphore, #tpu.memory_space<semaphore_mem>> -> memref<1x!tpu.dma_semaphore, #tpu.memory_space<semaphore_mem>>
    %dma_start3A_20 = tpu.memref_squeeze %dma_start3A_19 : memref<1x!tpu.dma_semaphore, #tpu.memory_space<semaphore_mem>> -> memref<!tpu.dma_semaphore, #tpu.memory_space<semaphore_mem>>
    %dma_start3A_21 = arith.constant 0 : i32
    %dma_start3A_22 = tpu.memref_slice %arg6[%dma_start3A_21] : memref<32768xi32, #tpu.memory_space<vmem>> -> memref<8192xi32, #tpu.memory_space<vmem>>
    %dma_start3A_23 = tpu.memref_slice %arg3[%add3A_6] : memref<1048576xi32, #tpu.memory_space<hbm>> -> memref<8192xi32, #tpu.memory_space<hbm>>
    tpu.enqueue_dma source(%dma_start3A_23 : memref<8192xi32, #tpu.memory_space<hbm>>) target(%dma_start3A_22 : memref<8192xi32, #tpu.memory_space<vmem>>) target_semaphore(%dma_start3A_20 : memref<!tpu.dma_semaphore, #tpu.memory_space<semaphore_mem>>)
    %add3A_24 = arith.constant 8192 : i32
    %add3A_25 = arith.addi %mul3A_2, %add3A_24 : i32
    %add3A_26 = arith.constant 8192 : i32
    %add3A_27 = arith.addi %mul3A_2, %add3A_26 : i32
    %dma_start3A_28 = arith.constant 1 : i32
    %dma_start3A_29 = arith.constant 8192 : i32
    %dma_start3A_30 = tpu.memref_slice %arg5[%dma_start3A_29] : memref<32768xi32, #tpu.memory_space<vmem>> -> memref<8192xi32, #tpu.memory_space<vmem>>
    %dma_start3A_31 = tpu.memref_slice %arg2[%add3A_25] : memref<1048576xi32, #tpu.memory_space<hbm>> -> memref<8192xi32, #tpu.memory_space<hbm>>
    %dma_start3A_32 = tpu.memref_slice %arg9[%dma_start3A_28] : memref<4x!tpu.dma_semaphore, #tpu.memory_space<semaphore_mem>> -> memref<1x!tpu.dma_semaphore, #tpu.memory_space<semaphore_mem>>
    %dma_start3A_33 = tpu.memref_squeeze %dma_start3A_32 : memref<1x!tpu.dma_semaphore, #tpu.memory_space<semaphore_mem>> -> memref<!tpu.dma_semaphore, #tpu.memory_space<semaphore_mem>>
    %dma_start3A_34 = arith.constant 8192 : i32
    %dma_start3A_35 = tpu.memref_slice %arg5[%dma_start3A_34] : memref<32768xi32, #tpu.memory_space<vmem>> -> memref<8192xi32, #tpu.memory_space<vmem>>
    %dma_start3A_36 = tpu.memref_slice %arg2[%add3A_25] : memref<1048576xi32, #tpu.memory_space<hbm>> -> memref<8192xi32, #tpu.memory_space<hbm>>
    tpu.enqueue_dma source(%dma_start3A_36 : memref<8192xi32, #tpu.memory_space<hbm>>) target(%dma_start3A_35 : memref<8192xi32, #tpu.memory_space<vmem>>) target_semaphore(%dma_start3A_33 : memref<!tpu.dma_semaphore, #tpu.memory_space<semaphore_mem>>)
    %dma_start3A_37 = arith.constant 1 : i32
    %dma_start3A_38 = arith.constant 8192 : i32
    %dma_start3A_39 = tpu.memref_slice %arg6[%dma_start3A_38] : memref<32768xi32, #tpu.memory_space<vmem>> -> memref<8192xi32, #tpu.memory_space<vmem>>
    %dma_start3A_40 = tpu.memref_slice %arg3[%add3A_27] : memref<1048576xi32, #tpu.memory_space<hbm>> -> memref<8192xi32, #tpu.memory_space<hbm>>
    %dma_start3A_41 = tpu.memref_slice %arg9[%dma_start3A_37] : memref<4x!tpu.dma_semaphore, #tpu.memory_space<semaphore_mem>> -> memref<1x!tpu.dma_semaphore, #tpu.memory_space<semaphore_mem>>
    %dma_start3A_42 = tpu.memref_squeeze %dma_start3A_41 : memref<1x!tpu.dma_semaphore, #tpu.memory_space<semaphore_mem>> -> memref<!tpu.dma_semaphore, #tpu.memory_space<semaphore_mem>>
    %dma_start3A_43 = arith.constant 8192 : i32
    %dma_start3A_44 = tpu.memref_slice %arg6[%dma_start3A_43] : memref<32768xi32, #tpu.memory_space<vmem>> -> memref<8192xi32, #tpu.memory_space<vmem>>
    %dma_start3A_45 = tpu.memref_slice %arg3[%add3A_27] : memref<1048576xi32, #tpu.memory_space<hbm>> -> memref<8192xi32, #tpu.memory_space<hbm>>
    tpu.enqueue_dma source(%dma_start3A_45 : memref<8192xi32, #tpu.memory_space<hbm>>) target(%dma_start3A_44 : memref<8192xi32, #tpu.memory_space<vmem>>) target_semaphore(%dma_start3A_42 : memref<!tpu.dma_semaphore, #tpu.memory_space<semaphore_mem>>)
    %add3A_46 = arith.constant 16384 : i32
    %add3A_47 = arith.addi %mul3A_2, %add3A_46 : i32
    %add3A_48 = arith.constant 16384 : i32
    %add3A_49 = arith.addi %mul3A_2, %add3A_48 : i32
    %dma_start3A_50 = arith.constant 2 : i32
    %dma_start3A_51 = arith.constant 16384 : i32
    %dma_start3A_52 = tpu.memref_slice %arg5[%dma_start3A_51] : memref<32768xi32, #tpu.memory_space<vmem>> -> memref<8192xi32, #tpu.memory_space<vmem>>
    %dma_start3A_53 = tpu.memref_slice %arg2[%add3A_47] : memref<1048576xi32, #tpu.memory_space<hbm>> -> memref<8192xi32, #tpu.memory_space<hbm>>
    %dma_start3A_54 = tpu.memref_slice %arg9[%dma_start3A_50] : memref<4x!tpu.dma_semaphore, #tpu.memory_space<semaphore_mem>> -> memref<1x!tpu.dma_semaphore, #tpu.memory_space<semaphore_mem>>
    %dma_start3A_55 = tpu.memref_squeeze %dma_start3A_54 : memref<1x!tpu.dma_semaphore, #tpu.memory_space<semaphore_mem>> -> memref<!tpu.dma_semaphore, #tpu.memory_space<semaphore_mem>>
    %dma_start3A_56 = arith.constant 16384 : i32
    %dma_start3A_57 = tpu.memref_slice %arg5[%dma_start3A_56] : memref<32768xi32, #tpu.memory_space<vmem>> -> memref<8192xi32, #tpu.memory_space<vmem>>
    %dma_start3A_58 = tpu.memref_slice %arg2[%add3A_47] : memref<1048576xi32, #tpu.memory_space<hbm>> -> memref<8192xi32, #tpu.memory_space<hbm>>
    tpu.enqueue_dma source(%dma_start3A_58 : memref<8192xi32, #tpu.memory_space<hbm>>) target(%dma_start3A_57 : memref<8192xi32, #tpu.memory_space<vmem>>) target_semaphore(%dma_start3A_55 : memref<!tpu.dma_semaphore, #tpu.memory_space<semaphore_mem>>)
    %dma_start3A_59 = arith.constant 2 : i32
    %dma_start3A_60 = arith.constant 16384 : i32
    %dma_start3A_61 = tpu.memref_slice %arg6[%dma_start3A_60] : memref<32768xi32, #tpu.memory_space<vmem>> -> memref<8192xi32, #tpu.memory_space<vmem>>
    %dma_start3A_62 = tpu.memref_slice %arg3[%add3A_49] : memref<1048576xi32, #tpu.memory_space<hbm>> -> memref<8192xi32, #tpu.memory_space<hbm>>
    %dma_start3A_63 = tpu.memref_slice %arg9[%dma_start3A_59] : memref<4x!tpu.dma_semaphore, #tpu.memory_space<semaphore_mem>> -> memref<1x!tpu.dma_semaphore, #tpu.memory_space<semaphore_mem>>
    %dma_start3A_64 = tpu.memref_squeeze %dma_start3A_63 : memref<1x!tpu.dma_semaphore, #tpu.memory_space<semaphore_mem>> -> memref<!tpu.dma_semaphore, #tpu.memory_space<semaphore_mem>>
    %dma_start3A_65 = arith.constant 16384 : i32
    %dma_start3A_66 = tpu.memref_slice %arg6[%dma_start3A_65] : memref<32768xi32, #tpu.memory_space<vmem>> -> memref<8192xi32, #tpu.memory_space<vmem>>
    %dma_start3A_67 = tpu.memref_slice %arg3[%add3A_49] : memref<1048576xi32, #tpu.memory_space<hbm>> -> memref<8192xi32, #tpu.memory_space<hbm>>
    tpu.enqueue_dma source(%dma_start3A_67 : memref<8192xi32, #tpu.memory_space<hbm>>) target(%dma_start3A_66 : memref<8192xi32, #tpu.memory_space<vmem>>) target_semaphore(%dma_start3A_64 : memref<!tpu.dma_semaphore, #tpu.memory_space<semaphore_mem>>)
    %add3A_68 = arith.constant 24576 : i32
    %add3A_69 = arith.addi %mul3A_2, %add3A_68 : i32
    %add3A_70 = arith.constant 24576 : i32
    %add3A_71 = arith.addi %mul3A_2, %add3A_70 : i32
    %dma_start3A_72 = arith.constant 3 : i32
    %dma_start3A_73 = arith.constant 24576 : i32
    %dma_start3A_74 = tpu.memref_slice %arg5[%dma_start3A_73] : memref<32768xi32, #tpu.memory_space<vmem>> -> memref<8192xi32, #tpu.memory_space<vmem>>
    %dma_start3A_75 = tpu.memref_slice %arg2[%add3A_69] : memref<1048576xi32, #tpu.memory_space<hbm>> -> memref<8192xi32, #tpu.memory_space<hbm>>
    %dma_start3A_76 = tpu.memref_slice %arg9[%dma_start3A_72] : memref<4x!tpu.dma_semaphore, #tpu.memory_space<semaphore_mem>> -> memref<1x!tpu.dma_semaphore, #tpu.memory_space<semaphore_mem>>
    %dma_start3A_77 = tpu.memref_squeeze %dma_start3A_76 : memref<1x!tpu.dma_semaphore, #tpu.memory_space<semaphore_mem>> -> memref<!tpu.dma_semaphore, #tpu.memory_space<semaphore_mem>>
    %dma_start3A_78 = arith.constant 24576 : i32
    %dma_start3A_79 = tpu.memref_slice %arg5[%dma_start3A_78] : memref<32768xi32, #tpu.memory_space<vmem>> -> memref<8192xi32, #tpu.memory_space<vmem>>
    %dma_start3A_80 = tpu.memref_slice %arg2[%add3A_69] : memref<1048576xi32, #tpu.memory_space<hbm>> -> memref<8192xi32, #tpu.memory_space<hbm>>
    tpu.enqueue_dma source(%dma_start3A_80 : memref<8192xi32, #tpu.memory_space<hbm>>) target(%dma_start3A_79 : memref<8192xi32, #tpu.memory_space<vmem>>) target_semaphore(%dma_start3A_77 : memref<!tpu.dma_semaphore, #tpu.memory_space<semaphore_mem>>)
    %dma_start3A_81 = arith.constant 3 : i32
    %dma_start3A_82 = arith.constant 24576 : i32
    %dma_start3A_83 = tpu.memref_slice %arg6[%dma_start3A_82] : memref<32768xi32, #tpu.memory_space<vmem>> -> memref<8192xi32, #tpu.memory_space<vmem>>
    %dma_start3A_84 = tpu.memref_slice %arg3[%add3A_71] : memref<1048576xi32, #tpu.memory_space<hbm>> -> memref<8192xi32, #tpu.memory_space<hbm>>
    %dma_start3A_85 = tpu.memref_slice %arg9[%dma_start3A_81] : memref<4x!tpu.dma_semaphore, #tpu.memory_space<semaphore_mem>> -> memref<1x!tpu.dma_semaphore, #tpu.memory_space<semaphore_mem>>
    %dma_start3A_86 = tpu.memref_squeeze %dma_start3A_85 : memref<1x!tpu.dma_semaphore, #tpu.memory_space<semaphore_mem>> -> memref<!tpu.dma_semaphore, #tpu.memory_space<semaphore_mem>>
    %dma_start3A_87 = arith.constant 24576 : i32
    %dma_start3A_88 = tpu.memref_slice %arg6[%dma_start3A_87] : memref<32768xi32, #tpu.memory_space<vmem>> -> memref<8192xi32, #tpu.memory_space<vmem>>
    %dma_start3A_89 = tpu.memref_slice %arg3[%add3A_71] : memref<1048576xi32, #tpu.memory_space<hbm>> -> memref<8192xi32, #tpu.memory_space<hbm>>
    tpu.enqueue_dma source(%dma_start3A_89 : memref<8192xi32, #tpu.memory_space<hbm>>) target(%dma_start3A_88 : memref<8192xi32, #tpu.memory_space<vmem>>) target_semaphore(%dma_start3A_86 : memref<!tpu.dma_semaphore, #tpu.memory_space<semaphore_mem>>)
    %broadcast_in_dim3A = arith.constant 0.000000e+00 : f32
    %broadcast_in_dim3A_90 = vector.broadcast %broadcast_in_dim3A : f32 to vector<16xf32>
    %swap3A = arith.constant 0 : index
    %swap3A_91 = tpu.vector_load %arg7[%swap3A] {strides = array<i32>} : memref<512xf32, #tpu.memory_space<vmem>>, vector<16xf32>,
    tpu.vector_store %arg7[%swap3A], %broadcast_in_dim3A_90 {strides = array<i32>} : memref<512xf32, #tpu.memory_space<vmem>>, vector<16xf32>,
    %swap3A_92 = arith.constant 16 : index
    %swap3A_93 = tpu.vector_load %arg7[%swap3A_92] {strides = array<i32>} : memref<512xf32, #tpu.memory_space<vmem>>, vector<16xf32>,
    tpu.vector_store %arg7[%swap3A_92], %broadcast_in_dim3A_90 {strides = array<i32>} : memref<512xf32, #tpu.memory_space<vmem>>, vector<16xf32>,
    %swap3A_94 = arith.constant 32 : index
    %swap3A_95 = tpu.vector_load %arg7[%swap3A_94] {strides = array<i32>} : memref<512xf32, #tpu.memory_space<vmem>>, vector<16xf32>,
    tpu.vector_store %arg7[%swap3A_94], %broadcast_in_dim3A_90 {strides = array<i32>} : memref<512xf32, #tpu.memory_space<vmem>>, vector<16xf32>,
    %swap3A_96 = arith.constant 48 : index
    %swap3A_97 = tpu.vector_load %arg7[%swap3A_96] {strides = array<i32>} : memref<512xf32, #tpu.memory_space<vmem>>, vector<16xf32>,
    tpu.vector_store %arg7[%swap3A_96], %broadcast_in_dim3A_90 {strides = array<i32>} : memref<512xf32, #tpu.memory_space<vmem>>, vector<16xf32>,
    %swap3A_98 = arith.constant 64 : index
    %swap3A_99 = tpu.vector_load %arg7[%swap3A_98] {strides = array<i32>} : memref<512xf32, #tpu.memory_space<vmem>>, vector<16xf32>,
    tpu.vector_store %arg7[%swap3A_98], %broadcast_in_dim3A_90 {strides = array<i32>} : memref<512xf32, #tpu.memory_space<vmem>>, vector<16xf32>,
    %swap3A_100 = arith.constant 80 : index
    %swap3A_101 = tpu.vector_load %arg7[%swap3A_100] {strides = array<i32>} : memref<512xf32, #tpu.memory_space<vmem>>, vector<16xf32>,
    tpu.vector_store %arg7[%swap3A_100], %broadcast_in_dim3A_90 {strides = array<i32>} : memref<512xf32, #tpu.memory_space<vmem>>, vector<16xf32>,
    %swap3A_102 = arith.constant 96 : index
    %swap3A_103 = tpu.vector_load %arg7[%swap3A_102] {strides = array<i32>} : memref<512xf32, #tpu.memory_space<vmem>>, vector<16xf32>,
    tpu.vector_store %arg7[%swap3A_102], %broadcast_in_dim3A_90 {strides = array<i32>} : memref<512xf32, #tpu.memory_space<vmem>>, vector<16xf32>,
    %swap3A_104 = arith.constant 112 : index
    %swap3A_105 = tpu.vector_load %arg7[%swap3A_104] {strides = array<i32>} : memref<512xf32, #tpu.memory_space<vmem>>, vector<16xf32>,
    tpu.vector_store %arg7[%swap3A_104], %broadcast_in_dim3A_90 {strides = array<i32>} : memref<512xf32, #tpu.memory_space<vmem>>, vector<16xf32>,
    %swap3A_106 = arith.constant 128 : index
    %swap3A_107 = tpu.vector_load %arg7[%swap3A_106] {strides = array<i32>} : memref<512xf32, #tpu.memory_space<vmem>>, vector<16xf32>,
    tpu.vector_store %arg7[%swap3A_106], %broadcast_in_dim3A_90 {strides = array<i32>} : memref<512xf32, #tpu.memory_space<vmem>>, vector<16xf32>,
    %swap3A_108 = arith.constant 144 : index
    %swap3A_109 = tpu.vector_load %arg7[%swap3A_108] {strides = array<i32>} : memref<512xf32, #tpu.memory_space<vmem>>, vector<16xf32>,
    tpu.vector_store %arg7[%swap3A_108], %broadcast_in_dim3A_90 {strides = array<i32>} : memref<512xf32, #tpu.memory_space<vmem>>, vector<16xf32>,
    %swap3A_110 = arith.constant 160 : index
    %swap3A_111 = tpu.vector_load %arg7[%swap3A_110] {strides = array<i32>} : memref<512xf32, #tpu.memory_space<vmem>>, vector<16xf32>,
    tpu.vector_store %arg7[%swap3A_110], %broadcast_in_dim3A_90 {strides = array<i32>} : memref<512xf32, #tpu.memory_space<vmem>>, vector<16xf32>,
    %swap3A_112 = arith.constant 176 : index
    %swap3A_113 = tpu.vector_load %arg7[%swap3A_112] {strides = array<i32>} : memref<512xf32, #tpu.memory_space<vmem>>, vector<16xf32>,
    tpu.vector_store %arg7[%swap3A_112], %broadcast_in_dim3A_90 {strides = array<i32>} : memref<512xf32, #tpu.memory_space<vmem>>, vector<16xf32>,
    %swap3A_114 = arith.constant 192 : index
    %swap3A_115 = tpu.vector_load %arg7[%swap3A_114] {strides = array<i32>} : memref<512xf32, #tpu.memory_space<vmem>>, vector<16xf32>,
    tpu.vector_store %arg7[%swap3A_114], %broadcast_in_dim3A_90 {strides = array<i32>} : memref<512xf32, #tpu.memory_space<vmem>>, vector<16xf32>,
    %swap3A_116 = arith.constant 208 : index
    %swap3A_117 = tpu.vector_load %arg7[%swap3A_116] {strides = array<i32>} : memref<512xf32, #tpu.memory_space<vmem>>, vector<16xf32>,
    tpu.vector_store %arg7[%swap3A_116], %broadcast_in_dim3A_90 {strides = array<i32>} : memref<512xf32, #tpu.memory_space<vmem>>, vector<16xf32>,
    %swap3A_118 = arith.constant 224 : index
    %swap3A_119 = tpu.vector_load %arg7[%swap3A_118] {strides = array<i32>} : memref<512xf32, #tpu.memory_space<vmem>>, vector<16xf32>,
    tpu.vector_store %arg7[%swap3A_118], %broadcast_in_dim3A_90 {strides = array<i32>} : memref<512xf32, #tpu.memory_space<vmem>>, vector<16xf32>,
    %swap3A_120 = arith.constant 240 : index
    %swap3A_121 = tpu.vector_load %arg7[%swap3A_120] {strides = array<i32>} : memref<512xf32, #tpu.memory_space<vmem>>, vector<16xf32>,
    tpu.vector_store %arg7[%swap3A_120], %broadcast_in_dim3A_90 {strides = array<i32>} : memref<512xf32, #tpu.memory_space<vmem>>, vector<16xf32>,
    %swap3A_122 = arith.constant 256 : index
    %swap3A_123 = tpu.vector_load %arg7[%swap3A_122] {strides = array<i32>} : memref<512xf32, #tpu.memory_space<vmem>>, vector<16xf32>,
    tpu.vector_store %arg7[%swap3A_122], %broadcast_in_dim3A_90 {strides = array<i32>} : memref<512xf32, #tpu.memory_space<vmem>>, vector<16xf32>,
    %swap3A_124 = arith.constant 272 : index
    %swap3A_125 = tpu.vector_load %arg7[%swap3A_124] {strides = array<i32>} : memref<512xf32, #tpu.memory_space<vmem>>, vector<16xf32>,
    tpu.vector_store %arg7[%swap3A_124], %broadcast_in_dim3A_90 {strides = array<i32>} : memref<512xf32, #tpu.memory_space<vmem>>, vector<16xf32>,
    %swap3A_126 = arith.constant 288 : index
    %swap3A_127 = tpu.vector_load %arg7[%swap3A_126] {strides = array<i32>} : memref<512xf32, #tpu.memory_space<vmem>>, vector<16xf32>,
    tpu.vector_store %arg7[%swap3A_126], %broadcast_in_dim3A_90 {strides = array<i32>} : memref<512xf32, #tpu.memory_space<vmem>>, vector<16xf32>,
    %swap3A_128 = arith.constant 304 : index
    %swap3A_129 = tpu.vector_load %arg7[%swap3A_128] {strides = array<i32>} : memref<512xf32, #tpu.memory_space<vmem>>, vector<16xf32>,
    tpu.vector_store %arg7[%swap3A_128], %broadcast_in_dim3A_90 {strides = array<i32>} : memref<512xf32, #tpu.memory_space<vmem>>, vector<16xf32>,
    %swap3A_130 = arith.constant 320 : index
    %swap3A_131 = tpu.vector_load %arg7[%swap3A_130] {strides = array<i32>} : memref<512xf32, #tpu.memory_space<vmem>>, vector<16xf32>,
    tpu.vector_store %arg7[%swap3A_130], %broadcast_in_dim3A_90 {strides = array<i32>} : memref<512xf32, #tpu.memory_space<vmem>>, vector<16xf32>,
    %swap3A_132 = arith.constant 336 : index
    %swap3A_133 = tpu.vector_load %arg7[%swap3A_132] {strides = array<i32>} : memref<512xf32, #tpu.memory_space<vmem>>, vector<16xf32>,
    tpu.vector_store %arg7[%swap3A_132], %broadcast_in_dim3A_90 {strides = array<i32>} : memref<512xf32, #tpu.memory_space<vmem>>, vector<16xf32>,
    %swap3A_134 = arith.constant 352 : index
    %swap3A_135 = tpu.vector_load %arg7[%swap3A_134] {strides = array<i32>} : memref<512xf32, #tpu.memory_space<vmem>>, vector<16xf32>,
    tpu.vector_store %arg7[%swap3A_134], %broadcast_in_dim3A_90 {strides = array<i32>} : memref<512xf32, #tpu.memory_space<vmem>>, vector<16xf32>,
    %swap3A_136 = arith.constant 368 : index
    %swap3A_137 = tpu.vector_load %arg7[%swap3A_136] {strides = array<i32>} : memref<512xf32, #tpu.memory_space<vmem>>, vector<16xf32>,
    tpu.vector_store %arg7[%swap3A_136], %broadcast_in_dim3A_90 {strides = array<i32>} : memref<512xf32, #tpu.memory_space<vmem>>, vector<16xf32>,
    %swap3A_138 = arith.constant 384 : index
    %swap3A_139 = tpu.vector_load %arg7[%swap3A_138] {strides = array<i32>} : memref<512xf32, #tpu.memory_space<vmem>>, vector<16xf32>,
    tpu.vector_store %arg7[%swap3A_138], %broadcast_in_dim3A_90 {strides = array<i32>} : memref<512xf32, #tpu.memory_space<vmem>>, vector<16xf32>,
    %swap3A_140 = arith.constant 400 : index
    %swap3A_141 = tpu.vector_load %arg7[%swap3A_140] {strides = array<i32>} : memref<512xf32, #tpu.memory_space<vmem>>, vector<16xf32>,
    tpu.vector_store %arg7[%swap3A_140], %broadcast_in_dim3A_90 {strides = array<i32>} : memref<512xf32, #tpu.memory_space<vmem>>, vector<16xf32>,
    %swap3A_142 = arith.constant 416 : index
    %swap3A_143 = tpu.vector_load %arg7[%swap3A_142] {strides = array<i32>} : memref<512xf32, #tpu.memory_space<vmem>>, vector<16xf32>,
    tpu.vector_store %arg7[%swap3A_142], %broadcast_in_dim3A_90 {strides = array<i32>} : memref<512xf32, #tpu.memory_space<vmem>>, vector<16xf32>,
    %swap3A_144 = arith.constant 432 : index
    %swap3A_145 = tpu.vector_load %arg7[%swap3A_144] {strides = array<i32>} : memref<512xf32, #tpu.memory_space<vmem>>, vector<16xf32>,
    tpu.vector_store %arg7[%swap3A_144], %broadcast_in_dim3A_90 {strides = array<i32>} : memref<512xf32, #tpu.memory_space<vmem>>, vector<16xf32>,
    %swap3A_146 = arith.constant 448 : index
    %swap3A_147 = tpu.vector_load %arg7[%swap3A_146] {strides = array<i32>} : memref<512xf32, #tpu.memory_space<vmem>>, vector<16xf32>,
    tpu.vector_store %arg7[%swap3A_146], %broadcast_in_dim3A_90 {strides = array<i32>} : memref<512xf32, #tpu.memory_space<vmem>>, vector<16xf32>,
    %swap3A_148 = arith.constant 464 : index
    %swap3A_149 = tpu.vector_load %arg7[%swap3A_148] {strides = array<i32>} : memref<512xf32, #tpu.memory_space<vmem>>, vector<16xf32>,
    tpu.vector_store %arg7[%swap3A_148], %broadcast_in_dim3A_90 {strides = array<i32>} : memref<512xf32, #tpu.memory_space<vmem>>, vector<16xf32>,
    %swap3A_150 = arith.constant 480 : index
    %swap3A_151 = tpu.vector_load %arg7[%swap3A_150] {strides = array<i32>} : memref<512xf32, #tpu.memory_space<vmem>>, vector<16xf32>,
    tpu.vector_store %arg7[%swap3A_150], %broadcast_in_dim3A_90 {strides = array<i32>} : memref<512xf32, #tpu.memory_space<vmem>>, vector<16xf32>,
    %swap3A_152 = arith.constant 496 : index
    %swap3A_153 = tpu.vector_load %arg7[%swap3A_152] {strides = array<i32>} : memref<512xf32, #tpu.memory_space<vmem>>, vector<16xf32>,
    tpu.vector_store %arg7[%swap3A_152], %broadcast_in_dim3A_90 {strides = array<i32>} : memref<512xf32, #tpu.memory_space<vmem>>, vector<16xf32>,
    %iota3A = tpu.iota {dimensions = array<i32: 0>} : vector<16xi32>
    %mul3A_154 = arith.constant 16 : i32
    %mul3A_155 = vector.broadcast %mul3A_154 : i32 to vector<16xi32>
    %mul3A_156 = arith.muli %iota3A, %mul3A_155 : vector<16xi32>
    %broadcast_in_dim3A_157 = arith.constant 1.000000e+00 : f32
    %broadcast_in_dim3A_158 = vector.broadcast %broadcast_in_dim3A_157 : f32 to vector<16xf32>
    %dma_wait3A = arith.constant 0 : i32
    %dma_wait3A_159 = arith.constant 0 : i32
    %dma_wait3A_160 = tpu.memref_slice %arg5[%dma_wait3A_159] : memref<32768xi32, #tpu.memory_space<vmem>> -> memref<8192xi32, #tpu.memory_space<vmem>>
    %dma_wait3A_161 = tpu.memref_slice %arg2[%add3A_4] : memref<1048576xi32, #tpu.memory_space<hbm>> -> memref<8192xi32, #tpu.memory_space<hbm>>
    %dma_wait3A_162 = tpu.memref_slice %arg9[%dma_wait3A] : memref<4x!tpu.dma_semaphore, #tpu.memory_space<semaphore_mem>> -> memref<1x!tpu.dma_semaphore, #tpu.memory_space<semaphore_mem>>
    %dma_wait3A_163 = tpu.memref_squeeze %dma_wait3A_162 : memref<1x!tpu.dma_semaphore, #tpu.memory_space<semaphore_mem>> -> memref<!tpu.dma_semaphore, #tpu.memory_space<semaphore_mem>>
    %dma_wait3A_164 = arith.constant 0 : i32
    %dma_wait3A_165 = tpu.memref_slice %arg5[%dma_wait3A_164] : memref<32768xi32, #tpu.memory_space<vmem>> -> memref<8192xi32, #tpu.memory_space<vmem>>
    %dma_wait3A_166 = tpu.memref_slice %arg2[%add3A_4] : memref<1048576xi32, #tpu.memory_space<hbm>> -> memref<8192xi32, #tpu.memory_space<hbm>>
    tpu.wait_dma2 semaphore(%dma_wait3A_163 : memref<!tpu.dma_semaphore, #tpu.memory_space<semaphore_mem>>) src(%dma_wait3A_166 : memref<8192xi32, #tpu.memory_space<hbm>>) dst(%dma_wait3A_165 : memref<8192xi32, #tpu.memory_space<vmem>>)
    %dma_wait3A_167 = arith.constant 0 : i32
    %dma_wait3A_168 = arith.constant 0 : i32
    %dma_wait3A_169 = tpu.memref_slice %arg6[%dma_wait3A_168] : memref<32768xi32, #tpu.memory_space<vmem>> -> memref<8192xi32, #tpu.memory_space<vmem>>
    %dma_wait3A_170 = tpu.memref_slice %arg3[%add3A_6] : memref<1048576xi32, #tpu.memory_space<hbm>> -> memref<8192xi32, #tpu.memory_space<hbm>>
    %dma_wait3A_171 = tpu.memref_slice %arg9[%dma_wait3A_167] : memref<4x!tpu.dma_semaphore, #tpu.memory_space<semaphore_mem>> -> memref<1x!tpu.dma_semaphore, #tpu.memory_space<semaphore_mem>>
    %dma_wait3A_172 = tpu.memref_squeeze %dma_wait3A_171 : memref<1x!tpu.dma_semaphore, #tpu.memory_space<semaphore_mem>> -> memref<!tpu.dma_semaphore, #tpu.memory_space<semaphore_mem>>
    %dma_wait3A_173 = arith.constant 0 : i32
    %dma_wait3A_174 = tpu.memref_slice %arg6[%dma_wait3A_173] : memref<32768xi32, #tpu.memory_space<vmem>> -> memref<8192xi32, #tpu.memory_space<vmem>>
    %dma_wait3A_175 = tpu.memref_slice %arg3[%add3A_6] : memref<1048576xi32, #tpu.memory_space<hbm>> -> memref<8192xi32, #tpu.memory_space<hbm>>
    tpu.wait_dma2 semaphore(%dma_wait3A_172 : memref<!tpu.dma_semaphore, #tpu.memory_space<semaphore_mem>>) src(%dma_wait3A_175 : memref<8192xi32, #tpu.memory_space<hbm>>) dst(%dma_wait3A_174 : memref<8192xi32, #tpu.memory_space<vmem>>)
    %dma_wait3A_176 = arith.constant 1 : i32
    %dma_wait3A_177 = arith.constant 8192 : i32
    %dma_wait3A_178 = tpu.memref_slice %arg5[%dma_wait3A_177] : memref<32768xi32, #tpu.memory_space<vmem>> -> memref<8192xi32, #tpu.memory_space<vmem>>
    %dma_wait3A_179 = tpu.memref_slice %arg2[%add3A_25] : memref<1048576xi32, #tpu.memory_space<hbm>> -> memref<8192xi32, #tpu.memory_space<hbm>>
    %dma_wait3A_180 = tpu.memref_slice %arg9[%dma_wait3A_176] : memref<4x!tpu.dma_semaphore, #tpu.memory_space<semaphore_mem>> -> memref<1x!tpu.dma_semaphore, #tpu.memory_space<semaphore_mem>>
    %dma_wait3A_181 = tpu.memref_squeeze %dma_wait3A_180 : memref<1x!tpu.dma_semaphore, #tpu.memory_space<semaphore_mem>> -> memref<!tpu.dma_semaphore, #tpu.memory_space<semaphore_mem>>
    %dma_wait3A_182 = arith.constant 8192 : i32
    %dma_wait3A_183 = tpu.memref_slice %arg5[%dma_wait3A_182] : memref<32768xi32, #tpu.memory_space<vmem>> -> memref<8192xi32, #tpu.memory_space<vmem>>
    %dma_wait3A_184 = tpu.memref_slice %arg2[%add3A_25] : memref<1048576xi32, #tpu.memory_space<hbm>> -> memref<8192xi32, #tpu.memory_space<hbm>>
    tpu.wait_dma2 semaphore(%dma_wait3A_181 : memref<!tpu.dma_semaphore, #tpu.memory_space<semaphore_mem>>) src(%dma_wait3A_184 : memref<8192xi32, #tpu.memory_space<hbm>>) dst(%dma_wait3A_183 : memref<8192xi32, #tpu.memory_space<vmem>>)
    %dma_wait3A_185 = arith.constant 1 : i32
    %dma_wait3A_186 = arith.constant 8192 : i32
    %dma_wait3A_187 = tpu.memref_slice %arg6[%dma_wait3A_186] : memref<32768xi32, #tpu.memory_space<vmem>> -> memref<8192xi32, #tpu.memory_space<vmem>>
    %dma_wait3A_188 = tpu.memref_slice %arg3[%add3A_27] : memref<1048576xi32, #tpu.memory_space<hbm>> -> memref<8192xi32, #tpu.memory_space<hbm>>
    %dma_wait3A_189 = tpu.memref_slice %arg9[%dma_wait3A_185] : memref<4x!tpu.dma_semaphore, #tpu.memory_space<semaphore_mem>> -> memref<1x!tpu.dma_semaphore, #tpu.memory_space<semaphore_mem>>
    %dma_wait3A_190 = tpu.memref_squeeze %dma_wait3A_189 : memref<1x!tpu.dma_semaphore, #tpu.memory_space<semaphore_mem>> -> memref<!tpu.dma_semaphore, #tpu.memory_space<semaphore_mem>>
    %dma_wait3A_191 = arith.constant 8192 : i32
    %dma_wait3A_192 = tpu.memref_slice %arg6[%dma_wait3A_191] : memref<32768xi32, #tpu.memory_space<vmem>> -> memref<8192xi32, #tpu.memory_space<vmem>>
    %dma_wait3A_193 = tpu.memref_slice %arg3[%add3A_27] : memref<1048576xi32, #tpu.memory_space<hbm>> -> memref<8192xi32, #tpu.memory_space<hbm>>
    tpu.wait_dma2 semaphore(%dma_wait3A_190 : memref<!tpu.dma_semaphore, #tpu.memory_space<semaphore_mem>>) src(%dma_wait3A_193 : memref<8192xi32, #tpu.memory_space<hbm>>) dst(%dma_wait3A_192 : memref<8192xi32, #tpu.memory_space<vmem>>)
    %dma_wait3A_194 = arith.constant 2 : i32
    %dma_wait3A_195 = arith.constant 16384 : i32
    %dma_wait3A_196 = tpu.memref_slice %arg5[%dma_wait3A_195] : memref<32768xi32, #tpu.memory_space<vmem>> -> memref<8192xi32, #tpu.memory_space<vmem>>
    %dma_wait3A_197 = tpu.memref_slice %arg2[%add3A_47] : memref<1048576xi32, #tpu.memory_space<hbm>> -> memref<8192xi32, #tpu.memory_space<hbm>>
    %dma_wait3A_198 = tpu.memref_slice %arg9[%dma_wait3A_194] : memref<4x!tpu.dma_semaphore, #tpu.memory_space<semaphore_mem>> -> memref<1x!tpu.dma_semaphore, #tpu.memory_space<semaphore_mem>>
    %dma_wait3A_199 = tpu.memref_squeeze %dma_wait3A_198 : memref<1x!tpu.dma_semaphore, #tpu.memory_space<semaphore_mem>> -> memref<!tpu.dma_semaphore, #tpu.memory_space<semaphore_mem>>
    %dma_wait3A_200 = arith.constant 16384 : i32
    %dma_wait3A_201 = tpu.memref_slice %arg5[%dma_wait3A_200] : memref<32768xi32, #tpu.memory_space<vmem>> -> memref<8192xi32, #tpu.memory_space<vmem>>
    %dma_wait3A_202 = tpu.memref_slice %arg2[%add3A_47] : memref<1048576xi32, #tpu.memory_space<hbm>> -> memref<8192xi32, #tpu.memory_space<hbm>>
    tpu.wait_dma2 semaphore(%dma_wait3A_199 : memref<!tpu.dma_semaphore, #tpu.memory_space<semaphore_mem>>) src(%dma_wait3A_202 : memref<8192xi32, #tpu.memory_space<hbm>>) dst(%dma_wait3A_201 : memref<8192xi32, #tpu.memory_space<vmem>>)
    %dma_wait3A_203 = arith.constant 2 : i32
    %dma_wait3A_204 = arith.constant 16384 : i32
    %dma_wait3A_205 = tpu.memref_slice %arg6[%dma_wait3A_204] : memref<32768xi32, #tpu.memory_space<vmem>> -> memref<8192xi32, #tpu.memory_space<vmem>>
    %dma_wait3A_206 = tpu.memref_slice %arg3[%add3A_49] : memref<1048576xi32, #tpu.memory_space<hbm>> -> memref<8192xi32, #tpu.memory_space<hbm>>
    %dma_wait3A_207 = tpu.memref_slice %arg9[%dma_wait3A_203] : memref<4x!tpu.dma_semaphore, #tpu.memory_space<semaphore_mem>> -> memref<1x!tpu.dma_semaphore, #tpu.memory_space<semaphore_mem>>
    %dma_wait3A_208 = tpu.memref_squeeze %dma_wait3A_207 : memref<1x!tpu.dma_semaphore, #tpu.memory_space<semaphore_mem>> -> memref<!tpu.dma_semaphore, #tpu.memory_space<semaphore_mem>>
    %dma_wait3A_209 = arith.constant 16384 : i32
    %dma_wait3A_210 = tpu.memref_slice %arg6[%dma_wait3A_209] : memref<32768xi32, #tpu.memory_space<vmem>> -> memref<8192xi32, #tpu.memory_space<vmem>>
    %dma_wait3A_211 = tpu.memref_slice %arg3[%add3A_49] : memref<1048576xi32, #tpu.memory_space<hbm>> -> memref<8192xi32, #tpu.memory_space<hbm>>
    tpu.wait_dma2 semaphore(%dma_wait3A_208 : memref<!tpu.dma_semaphore, #tpu.memory_space<semaphore_mem>>) src(%dma_wait3A_211 : memref<8192xi32, #tpu.memory_space<hbm>>) dst(%dma_wait3A_210 : memref<8192xi32, #tpu.memory_space<vmem>>)
    %dma_wait3A_212 = arith.constant 3 : i32
    %dma_wait3A_213 = arith.constant 24576 : i32
    %dma_wait3A_214 = tpu.memref_slice %arg5[%dma_wait3A_213] : memref<32768xi32, #tpu.memory_space<vmem>> -> memref<8192xi32, #tpu.memory_space<vmem>>
    %dma_wait3A_215 = tpu.memref_slice %arg2[%add3A_69] : memref<1048576xi32, #tpu.memory_space<hbm>> -> memref<8192xi32, #tpu.memory_space<hbm>>
    %dma_wait3A_216 = tpu.memref_slice %arg9[%dma_wait3A_212] : memref<4x!tpu.dma_semaphore, #tpu.memory_space<semaphore_mem>> -> memref<1x!tpu.dma_semaphore, #tpu.memory_space<semaphore_mem>>
    %dma_wait3A_217 = tpu.memref_squeeze %dma_wait3A_216 : memref<1x!tpu.dma_semaphore, #tpu.memory_space<semaphore_mem>> -> memref<!tpu.dma_semaphore, #tpu.memory_space<semaphore_mem>>
    %dma_wait3A_218 = arith.constant 24576 : i32
    %dma_wait3A_219 = tpu.memref_slice %arg5[%dma_wait3A_218] : memref<32768xi32, #tpu.memory_space<vmem>> -> memref<8192xi32, #tpu.memory_space<vmem>>
    %dma_wait3A_220 = tpu.memref_slice %arg2[%add3A_69] : memref<1048576xi32, #tpu.memory_space<hbm>> -> memref<8192xi32, #tpu.memory_space<hbm>>
    tpu.wait_dma2 semaphore(%dma_wait3A_217 : memref<!tpu.dma_semaphore, #tpu.memory_space<semaphore_mem>>) src(%dma_wait3A_220 : memref<8192xi32, #tpu.memory_space<hbm>>) dst(%dma_wait3A_219 : memref<8192xi32, #tpu.memory_space<vmem>>)
    %dma_wait3A_221 = arith.constant 3 : i32
    %dma_wait3A_222 = arith.constant 24576 : i32
    %dma_wait3A_223 = tpu.memref_slice %arg6[%dma_wait3A_222] : memref<32768xi32, #tpu.memory_space<vmem>> -> memref<8192xi32, #tpu.memory_space<vmem>>
    %dma_wait3A_224 = tpu.memref_slice %arg3[%add3A_71] : memref<1048576xi32, #tpu.memory_space<hbm>> -> memref<8192xi32, #tpu.memory_space<hbm>>
    %dma_wait3A_225 = tpu.memref_slice %arg9[%dma_wait3A_221] : memref<4x!tpu.dma_semaphore, #tpu.memory_space<semaphore_mem>> -> memref<1x!tpu.dma_semaphore, #tpu.memory_space<semaphore_mem>>
    %dma_wait3A_226 = tpu.memref_squeeze %dma_wait3A_225 : memref<1x!tpu.dma_semaphore, #tpu.memory_space<semaphore_mem>> -> memref<!tpu.dma_semaphore, #tpu.memory_space<semaphore_mem>>
    %dma_wait3A_227 = arith.constant 24576 : i32
    %dma_wait3A_228 = tpu.memref_slice %arg6[%dma_wait3A_227] : memref<32768xi32, #tpu.memory_space<vmem>> -> memref<8192xi32, #tpu.memory_space<vmem>>
    %dma_wait3A_229 = tpu.memref_slice %arg3[%add3A_71] : memref<1048576xi32, #tpu.memory_space<hbm>> -> memref<8192xi32, #tpu.memory_space<hbm>>
    tpu.wait_dma2 semaphore(%dma_wait3A_226 : memref<!tpu.dma_semaphore, #tpu.memory_space<semaphore_mem>>) src(%dma_wait3A_229 : memref<8192xi32, #tpu.memory_space<hbm>>) dst(%dma_wait3A_228 : memref<8192xi32, #tpu.memory_space<vmem>>)
    %get3A = arith.constant 0 : index
    %get3A_230 = tpu.vector_load %arg7[%get3A] {strides = array<i32>} : memref<512xf32, #tpu.memory_space<vmem>>, vector<16xf32>,
    %get3A_231 = arith.constant 16 : index
    %get3A_232 = tpu.vector_load %arg7[%get3A_231] {strides = array<i32>} : memref<512xf32, #tpu.memory_space<vmem>>, vector<16xf32>,
    %add3A_233 = arith.addf %get3A_230, %get3A_232 : vector<16xf32>
    %get3A_234 = arith.constant 32 : index
    %get3A_235 = tpu.vector_load %arg7[%get3A_234] {strides = array<i32>} : memref<512xf32, #tpu.memory_space<vmem>>, vector<16xf32>,
    %add3A_236 = arith.addf %add3A_233, %get3A_235 : vector<16xf32>
    %get3A_237 = arith.constant 48 : index
    %get3A_238 = tpu.vector_load %arg7[%get3A_237] {strides = array<i32>} : memref<512xf32, #tpu.memory_space<vmem>>, vector<16xf32>,
    %add3A_239 = arith.addf %add3A_236, %get3A_238 : vector<16xf32>
    %get3A_240 = arith.constant 64 : index
    %get3A_241 = tpu.vector_load %arg7[%get3A_240] {strides = array<i32>} : memref<512xf32, #tpu.memory_space<vmem>>, vector<16xf32>,
    %add3A_242 = arith.addf %add3A_239, %get3A_241 : vector<16xf32>
    %get3A_243 = arith.constant 80 : index
    %get3A_244 = tpu.vector_load %arg7[%get3A_243] {strides = array<i32>} : memref<512xf32, #tpu.memory_space<vmem>>, vector<16xf32>,
    %add3A_245 = arith.addf %add3A_242, %get3A_244 : vector<16xf32>
    %get3A_246 = arith.constant 96 : index
    %get3A_247 = tpu.vector_load %arg7[%get3A_246] {strides = array<i32>} : memref<512xf32, #tpu.memory_space<vmem>>, vector<16xf32>,
    %add3A_248 = arith.addf %add3A_245, %get3A_247 : vector<16xf32>
    %get3A_249 = arith.constant 112 : index
    %get3A_250 = tpu.vector_load %arg7[%get3A_249] {strides = array<i32>} : memref<512xf32, #tpu.memory_space<vmem>>, vector<16xf32>,
    %add3A_251 = arith.addf %add3A_248, %get3A_250 : vector<16xf32>
    %get3A_252 = arith.constant 128 : index
    %get3A_253 = tpu.vector_load %arg7[%get3A_252] {strides = array<i32>} : memref<512xf32, #tpu.memory_space<vmem>>, vector<16xf32>,
    %add3A_254 = arith.addf %add3A_251, %get3A_253 : vector<16xf32>
    %get3A_255 = arith.constant 144 : index
    %get3A_256 = tpu.vector_load %arg7[%get3A_255] {strides = array<i32>} : memref<512xf32, #tpu.memory_space<vmem>>, vector<16xf32>,
    %add3A_257 = arith.addf %add3A_254, %get3A_256 : vector<16xf32>
    %get3A_258 = arith.constant 160 : index
    %get3A_259 = tpu.vector_load %arg7[%get3A_258] {strides = array<i32>} : memref<512xf32, #tpu.memory_space<vmem>>, vector<16xf32>,
    %add3A_260 = arith.addf %add3A_257, %get3A_259 : vector<16xf32>
    %get3A_261 = arith.constant 176 : index
    %get3A_262 = tpu.vector_load %arg7[%get3A_261] {strides = array<i32>} : memref<512xf32, #tpu.memory_space<vmem>>, vector<16xf32>,
    %add3A_263 = arith.addf %add3A_260, %get3A_262 : vector<16xf32>
    %get3A_264 = arith.constant 192 : index
    %get3A_265 = tpu.vector_load %arg7[%get3A_264] {strides = array<i32>} : memref<512xf32, #tpu.memory_space<vmem>>, vector<16xf32>,
    %add3A_266 = arith.addf %add3A_263, %get3A_265 : vector<16xf32>
    %get3A_267 = arith.constant 208 : index
    %get3A_268 = tpu.vector_load %arg7[%get3A_267] {strides = array<i32>} : memref<512xf32, #tpu.memory_space<vmem>>, vector<16xf32>,
    %add3A_269 = arith.addf %add3A_266, %get3A_268 : vector<16xf32>
    %get3A_270 = arith.constant 224 : index
    %get3A_271 = tpu.vector_load %arg7[%get3A_270] {strides = array<i32>} : memref<512xf32, #tpu.memory_space<vmem>>, vector<16xf32>,
    %add3A_272 = arith.addf %add3A_269, %get3A_271 : vector<16xf32>
    %get3A_273 = arith.constant 240 : index
    %get3A_274 = tpu.vector_load %arg7[%get3A_273] {strides = array<i32>} : memref<512xf32, #tpu.memory_space<vmem>>, vector<16xf32>,
    %add3A_275 = arith.addf %add3A_272, %get3A_274 : vector<16xf32>
    %swap3A_276 = arith.constant 0 : index
    %swap3A_277 = tpu.vector_load %arg8[%swap3A_276] {strides = array<i32>} : memref<16xf32, #tpu.memory_space<vmem>>, vector<16xf32>,
    tpu.vector_store %arg8[%swap3A_276], %add3A_275 {strides = array<i32>} : memref<16xf32, #tpu.memory_space<vmem>>, vector<16xf32>,
    %add3A_278 = arith.constant 0 : i32
    %add3A_279 = arith.addi %add3A_278, %add3A : i32
    %mul3A_280 = arith.constant 16 : i32
    %mul3A_281 = arith.muli %add3A_279, %mul3A_280 : i32
    "tpu.region"() ({
      %run_scoped3A = tpu.sem_alloc : memref<!tpu.dma_semaphore, #tpu.memory_space<semaphore_mem>>
      %dma_start3A_335 = tpu.memref_slice %arg4[%mul3A_281] : memref<1024xf32, #tpu.memory_space<hbm>> -> memref<16xf32, #tpu.memory_space<hbm>>
      %dma_start3A_336 = tpu.memref_slice %arg4[%mul3A_281] : memref<1024xf32, #tpu.memory_space<hbm>> -> memref<16xf32, #tpu.memory_space<hbm>>
      tpu.enqueue_dma source(%arg8 : memref<16xf32, #tpu.memory_space<vmem>>) target(%dma_start3A_336 : memref<16xf32, #tpu.memory_space<hbm>>) target_semaphore(%run_scoped3A : memref<!tpu.dma_semaphore, #tpu.memory_space<semaphore_mem>>)
      %dma_wait3A_337 = tpu.memref_slice %arg4[%mul3A_281] : memref<1024xf32, #tpu.memory_space<hbm>> -> memref<16xf32, #tpu.memory_space<hbm>>
      %dma_wait3A_338 = tpu.memref_slice %arg4[%mul3A_281] : memref<1024xf32, #tpu.memory_space<hbm>> -> memref<16xf32, #tpu.memory_space<hbm>>
      tpu.wait_dma2 semaphore(%run_scoped3A : memref<!tpu.dma_semaphore, #tpu.memory_space<semaphore_mem>>) src(%arg8 : memref<16xf32, #tpu.memory_space<vmem>>) dst(%dma_wait3A_338 : memref<16xf32, #tpu.memory_space<hbm>>)
      tpu.yield
    }) : () -> ()
    %get3A_282 = arith.constant 256 : index
    %get3A_283 = tpu.vector_load %arg7[%get3A_282] {strides = array<i32>} : memref<512xf32, #tpu.memory_space<vmem>>, vector<16xf32>,
    %get3A_284 = arith.constant 272 : index
    %get3A_285 = tpu.vector_load %arg7[%get3A_284] {strides = array<i32>} : memref<512xf32, #tpu.memory_space<vmem>>, vector<16xf32>,
    %add3A_286 = arith.addf %get3A_283, %get3A_285 : vector<16xf32>
    %get3A_287 = arith.constant 288 : index
    %get3A_288 = tpu.vector_load %arg7[%get3A_287] {strides = array<i32>} : memref<512xf32, #tpu.memory_space<vmem>>, vector<16xf32>,
    %add3A_289 = arith.addf %add3A_286, %get3A_288 : vector<16xf32>
    %get3A_290 = arith.constant 304 : index
    %get3A_291 = tpu.vector_load %arg7[%get3A_290] {strides = array<i32>} : memref<512xf32, #tpu.memory_space<vmem>>, vector<16xf32>,
    %add3A_292 = arith.addf %add3A_289, %get3A_291 : vector<16xf32>
    %get3A_293 = arith.constant 320 : index
    %get3A_294 = tpu.vector_load %arg7[%get3A_293] {strides = array<i32>} : memref<512xf32, #tpu.memory_space<vmem>>, vector<16xf32>,
    %add3A_295 = arith.addf %add3A_292, %get3A_294 : vector<16xf32>
    %get3A_296 = arith.constant 336 : index
    %get3A_297 = tpu.vector_load %arg7[%get3A_296] {strides = array<i32>} : memref<512xf32, #tpu.memory_space<vmem>>, vector<16xf32>,
    %add3A_298 = arith.addf %add3A_295, %get3A_297 : vector<16xf32>
    %get3A_299 = arith.constant 352 : index
    %get3A_300 = tpu.vector_load %arg7[%get3A_299] {strides = array<i32>} : memref<512xf32, #tpu.memory_space<vmem>>, vector<16xf32>,
    %add3A_301 = arith.addf %add3A_298, %get3A_300 : vector<16xf32>
    %get3A_302 = arith.constant 368 : index
    %get3A_303 = tpu.vector_load %arg7[%get3A_302] {strides = array<i32>} : memref<512xf32, #tpu.memory_space<vmem>>, vector<16xf32>,
    %add3A_304 = arith.addf %add3A_301, %get3A_303 : vector<16xf32>
    %get3A_305 = arith.constant 384 : index
    %get3A_306 = tpu.vector_load %arg7[%get3A_305] {strides = array<i32>} : memref<512xf32, #tpu.memory_space<vmem>>, vector<16xf32>,
    %add3A_307 = arith.addf %add3A_304, %get3A_306 : vector<16xf32>
    %get3A_308 = arith.constant 400 : index
    %get3A_309 = tpu.vector_load %arg7[%get3A_308] {strides = array<i32>} : memref<512xf32, #tpu.memory_space<vmem>>, vector<16xf32>,
    %add3A_310 = arith.addf %add3A_307, %get3A_309 : vector<16xf32>
    %get3A_311 = arith.constant 416 : index
    %get3A_312 = tpu.vector_load %arg7[%get3A_311] {strides = array<i32>} : memref<512xf32, #tpu.memory_space<vmem>>, vector<16xf32>,
    %add3A_313 = arith.addf %add3A_310, %get3A_312 : vector<16xf32>
    %get3A_314 = arith.constant 432 : index
    %get3A_315 = tpu.vector_load %arg7[%get3A_314] {strides = array<i32>} : memref<512xf32, #tpu.memory_space<vmem>>, vector<16xf32>,
    %add3A_316 = arith.addf %add3A_313, %get3A_315 : vector<16xf32>
    %get3A_317 = arith.constant 448 : index
    %get3A_318 = tpu.vector_load %arg7[%get3A_317] {strides = array<i32>} : memref<512xf32, #tpu.memory_space<vmem>>, vector<16xf32>,
    %add3A_319 = arith.addf %add3A_316, %get3A_318 : vector<16xf32>
    %get3A_320 = arith.constant 464 : index
    %get3A_321 = tpu.vector_load %arg7[%get3A_320] {strides = array<i32>} : memref<512xf32, #tpu.memory_space<vmem>>, vector<16xf32>,
    %add3A_322 = arith.addf %add3A_319, %get3A_321 : vector<16xf32>
    %get3A_323 = arith.constant 480 : index
    %get3A_324 = tpu.vector_load %arg7[%get3A_323] {strides = array<i32>} : memref<512xf32, #tpu.memory_space<vmem>>, vector<16xf32>,
    %add3A_325 = arith.addf %add3A_322, %get3A_324 : vector<16xf32>
    %get3A_326 = arith.constant 496 : index
    %get3A_327 = tpu.vector_load %arg7[%get3A_326] {strides = array<i32>} : memref<512xf32, #tpu.memory_space<vmem>>, vector<16xf32>,
    %add3A_328 = arith.addf %add3A_325, %get3A_327 : vector<16xf32>
    %swap3A_329 = arith.constant 0 : index
    %swap3A_330 = tpu.vector_load %arg8[%swap3A_329] {strides = array<i32>} : memref<16xf32, #tpu.memory_space<vmem>>, vector<16xf32>,
    tpu.vector_store %arg8[%swap3A_329], %add3A_328 {strides = array<i32>} : memref<16xf32, #tpu.memory_space<vmem>>, vector<16xf32>,
    %add3A_331 = arith.constant 32 : i32
    %add3A_332 = arith.addi %add3A_331, %add3A : i32
    %mul3A_333 = arith.constant 16 : i32
    %mul3A_334 = arith.muli %add3A_332, %mul3A_333 : i32
    "tpu.region"() ({
      %run_scoped3A = tpu.sem_alloc : memref<!tpu.dma_semaphore, #tpu.memory_space<semaphore_mem>>
      %dma_start3A_335 = tpu.memref_slice %arg4[%mul3A_334] : memref<1024xf32, #tpu.memory_space<hbm>> -> memref<16xf32, #tpu.memory_space<hbm>>
      %dma_start3A_336 = tpu.memref_slice %arg4[%mul3A_334] : memref<1024xf32, #tpu.memory_space<hbm>> -> memref<16xf32, #tpu.memory_space<hbm>>
      tpu.enqueue_dma source(%arg8 : memref<16xf32, #tpu.memory_space<vmem>>) target(%dma_start3A_336 : memref<16xf32, #tpu.memory_space<hbm>>) target_semaphore(%run_scoped3A : memref<!tpu.dma_semaphore, #tpu.memory_space<semaphore_mem>>)
      %dma_wait3A_337 = tpu.memref_slice %arg4[%mul3A_334] : memref<1024xf32, #tpu.memory_space<hbm>> -> memref<16xf32, #tpu.memory_space<hbm>>
      %dma_wait3A_338 = tpu.memref_slice %arg4[%mul3A_334] : memref<1024xf32, #tpu.memory_space<hbm>> -> memref<16xf32, #tpu.memory_space<hbm>>
      tpu.wait_dma2 semaphore(%run_scoped3A : memref<!tpu.dma_semaphore, #tpu.memory_space<semaphore_mem>>) src(%arg8 : memref<16xf32, #tpu.memory_space<vmem>>) dst(%dma_wait3A_338 : memref<16xf32, #tpu.memory_space<hbm>>)
      tpu.yield
    }) : () -> ()
    return
  }
}

module attributes {stable_mosaic.version = 14 : i64} {
  func.func @_spd_body(%arg0: memref<1024xf32, #tpu.memory_space<vmem>>, %arg1: memref<1x1xf32, #tpu.memory_space<smem>>) attributes {dimension_semantics = [], scalar_prefetch = 0 : i64, scratch_operands = 0 : i64, tpu.core_type = #tpu.core_type<tc>} {
    %get3A = arith.constant 0 : index
    %get3A_0 = vector.load %arg0[%get3A] : memref<1024xf32, #tpu.memory_space<vmem>>, vector<16xf32>
    %get3A_1 = arith.constant 512 : index
    %get3A_2 = vector.load %arg0[%get3A_1] : memref<1024xf32, #tpu.memory_space<vmem>>, vector<16xf32>
    %get3A_3 = arith.constant 16 : index
    %get3A_4 = vector.load %arg0[%get3A_3] : memref<1024xf32, #tpu.memory_space<vmem>>, vector<16xf32>
    %add3A = arith.addf %get3A_0, %get3A_4 : vector<16xf32>
    %get3A_5 = arith.constant 528 : index
    %get3A_6 = vector.load %arg0[%get3A_5] : memref<1024xf32, #tpu.memory_space<vmem>>, vector<16xf32>
    %add3A_7 = arith.addf %get3A_2, %get3A_6 : vector<16xf32>
    %get3A_8 = arith.constant 32 : index
    %get3A_9 = vector.load %arg0[%get3A_8] : memref<1024xf32, #tpu.memory_space<vmem>>, vector<16xf32>
    %add3A_10 = arith.addf %add3A, %get3A_9 : vector<16xf32>
    %get3A_11 = arith.constant 544 : index
    %get3A_12 = vector.load %arg0[%get3A_11] : memref<1024xf32, #tpu.memory_space<vmem>>, vector<16xf32>
    %add3A_13 = arith.addf %add3A_7, %get3A_12 : vector<16xf32>
    %get3A_14 = arith.constant 48 : index
    %get3A_15 = vector.load %arg0[%get3A_14] : memref<1024xf32, #tpu.memory_space<vmem>>, vector<16xf32>
    %add3A_16 = arith.addf %add3A_10, %get3A_15 : vector<16xf32>
    %get3A_17 = arith.constant 560 : index
    %get3A_18 = vector.load %arg0[%get3A_17] : memref<1024xf32, #tpu.memory_space<vmem>>, vector<16xf32>
    %add3A_19 = arith.addf %add3A_13, %get3A_18 : vector<16xf32>
    %get3A_20 = arith.constant 64 : index
    %get3A_21 = vector.load %arg0[%get3A_20] : memref<1024xf32, #tpu.memory_space<vmem>>, vector<16xf32>
    %add3A_22 = arith.addf %add3A_16, %get3A_21 : vector<16xf32>
    %get3A_23 = arith.constant 576 : index
    %get3A_24 = vector.load %arg0[%get3A_23] : memref<1024xf32, #tpu.memory_space<vmem>>, vector<16xf32>
    %add3A_25 = arith.addf %add3A_19, %get3A_24 : vector<16xf32>
    %get3A_26 = arith.constant 80 : index
    %get3A_27 = vector.load %arg0[%get3A_26] : memref<1024xf32, #tpu.memory_space<vmem>>, vector<16xf32>
    %add3A_28 = arith.addf %add3A_22, %get3A_27 : vector<16xf32>
    %get3A_29 = arith.constant 592 : index
    %get3A_30 = vector.load %arg0[%get3A_29] : memref<1024xf32, #tpu.memory_space<vmem>>, vector<16xf32>
    %add3A_31 = arith.addf %add3A_25, %get3A_30 : vector<16xf32>
    %get3A_32 = arith.constant 96 : index
    %get3A_33 = vector.load %arg0[%get3A_32] : memref<1024xf32, #tpu.memory_space<vmem>>, vector<16xf32>
    %add3A_34 = arith.addf %add3A_28, %get3A_33 : vector<16xf32>
    %get3A_35 = arith.constant 608 : index
    %get3A_36 = vector.load %arg0[%get3A_35] : memref<1024xf32, #tpu.memory_space<vmem>>, vector<16xf32>
    %add3A_37 = arith.addf %add3A_31, %get3A_36 : vector<16xf32>
    %get3A_38 = arith.constant 112 : index
    %get3A_39 = vector.load %arg0[%get3A_38] : memref<1024xf32, #tpu.memory_space<vmem>>, vector<16xf32>
    %add3A_40 = arith.addf %add3A_34, %get3A_39 : vector<16xf32>
    %get3A_41 = arith.constant 624 : index
    %get3A_42 = vector.load %arg0[%get3A_41] : memref<1024xf32, #tpu.memory_space<vmem>>, vector<16xf32>
    %add3A_43 = arith.addf %add3A_37, %get3A_42 : vector<16xf32>
    %get3A_44 = arith.constant 128 : index
    %get3A_45 = vector.load %arg0[%get3A_44] : memref<1024xf32, #tpu.memory_space<vmem>>, vector<16xf32>
    %add3A_46 = arith.addf %add3A_40, %get3A_45 : vector<16xf32>
    %get3A_47 = arith.constant 640 : index
    %get3A_48 = vector.load %arg0[%get3A_47] : memref<1024xf32, #tpu.memory_space<vmem>>, vector<16xf32>
    %add3A_49 = arith.addf %add3A_43, %get3A_48 : vector<16xf32>
    %get3A_50 = arith.constant 144 : index
    %get3A_51 = vector.load %arg0[%get3A_50] : memref<1024xf32, #tpu.memory_space<vmem>>, vector<16xf32>
    %add3A_52 = arith.addf %add3A_46, %get3A_51 : vector<16xf32>
    %get3A_53 = arith.constant 656 : index
    %get3A_54 = vector.load %arg0[%get3A_53] : memref<1024xf32, #tpu.memory_space<vmem>>, vector<16xf32>
    %add3A_55 = arith.addf %add3A_49, %get3A_54 : vector<16xf32>
    %get3A_56 = arith.constant 160 : index
    %get3A_57 = vector.load %arg0[%get3A_56] : memref<1024xf32, #tpu.memory_space<vmem>>, vector<16xf32>
    %add3A_58 = arith.addf %add3A_52, %get3A_57 : vector<16xf32>
    %get3A_59 = arith.constant 672 : index
    %get3A_60 = vector.load %arg0[%get3A_59] : memref<1024xf32, #tpu.memory_space<vmem>>, vector<16xf32>
    %add3A_61 = arith.addf %add3A_55, %get3A_60 : vector<16xf32>
    %get3A_62 = arith.constant 176 : index
    %get3A_63 = vector.load %arg0[%get3A_62] : memref<1024xf32, #tpu.memory_space<vmem>>, vector<16xf32>
    %add3A_64 = arith.addf %add3A_58, %get3A_63 : vector<16xf32>
    %get3A_65 = arith.constant 688 : index
    %get3A_66 = vector.load %arg0[%get3A_65] : memref<1024xf32, #tpu.memory_space<vmem>>, vector<16xf32>
    %add3A_67 = arith.addf %add3A_61, %get3A_66 : vector<16xf32>
    %get3A_68 = arith.constant 192 : index
    %get3A_69 = vector.load %arg0[%get3A_68] : memref<1024xf32, #tpu.memory_space<vmem>>, vector<16xf32>
    %add3A_70 = arith.addf %add3A_64, %get3A_69 : vector<16xf32>
    %get3A_71 = arith.constant 704 : index
    %get3A_72 = vector.load %arg0[%get3A_71] : memref<1024xf32, #tpu.memory_space<vmem>>, vector<16xf32>
    %add3A_73 = arith.addf %add3A_67, %get3A_72 : vector<16xf32>
    %get3A_74 = arith.constant 208 : index
    %get3A_75 = vector.load %arg0[%get3A_74] : memref<1024xf32, #tpu.memory_space<vmem>>, vector<16xf32>
    %add3A_76 = arith.addf %add3A_70, %get3A_75 : vector<16xf32>
    %get3A_77 = arith.constant 720 : index
    %get3A_78 = vector.load %arg0[%get3A_77] : memref<1024xf32, #tpu.memory_space<vmem>>, vector<16xf32>
    %add3A_79 = arith.addf %add3A_73, %get3A_78 : vector<16xf32>
    %get3A_80 = arith.constant 224 : index
    %get3A_81 = vector.load %arg0[%get3A_80] : memref<1024xf32, #tpu.memory_space<vmem>>, vector<16xf32>
    %add3A_82 = arith.addf %add3A_76, %get3A_81 : vector<16xf32>
    %get3A_83 = arith.constant 736 : index
    %get3A_84 = vector.load %arg0[%get3A_83] : memref<1024xf32, #tpu.memory_space<vmem>>, vector<16xf32>
    %add3A_85 = arith.addf %add3A_79, %get3A_84 : vector<16xf32>
    %get3A_86 = arith.constant 240 : index
    %get3A_87 = vector.load %arg0[%get3A_86] : memref<1024xf32, #tpu.memory_space<vmem>>, vector<16xf32>
    %add3A_88 = arith.addf %add3A_82, %get3A_87 : vector<16xf32>
    %get3A_89 = arith.constant 752 : index
    %get3A_90 = vector.load %arg0[%get3A_89] : memref<1024xf32, #tpu.memory_space<vmem>>, vector<16xf32>
    %add3A_91 = arith.addf %add3A_85, %get3A_90 : vector<16xf32>
    %get3A_92 = arith.constant 256 : index
    %get3A_93 = vector.load %arg0[%get3A_92] : memref<1024xf32, #tpu.memory_space<vmem>>, vector<16xf32>
    %add3A_94 = arith.addf %add3A_88, %get3A_93 : vector<16xf32>
    %get3A_95 = arith.constant 768 : index
    %get3A_96 = vector.load %arg0[%get3A_95] : memref<1024xf32, #tpu.memory_space<vmem>>, vector<16xf32>
    %add3A_97 = arith.addf %add3A_91, %get3A_96 : vector<16xf32>
    %get3A_98 = arith.constant 272 : index
    %get3A_99 = vector.load %arg0[%get3A_98] : memref<1024xf32, #tpu.memory_space<vmem>>, vector<16xf32>
    %add3A_100 = arith.addf %add3A_94, %get3A_99 : vector<16xf32>
    %get3A_101 = arith.constant 784 : index
    %get3A_102 = vector.load %arg0[%get3A_101] : memref<1024xf32, #tpu.memory_space<vmem>>, vector<16xf32>
    %add3A_103 = arith.addf %add3A_97, %get3A_102 : vector<16xf32>
    %get3A_104 = arith.constant 288 : index
    %get3A_105 = vector.load %arg0[%get3A_104] : memref<1024xf32, #tpu.memory_space<vmem>>, vector<16xf32>
    %add3A_106 = arith.addf %add3A_100, %get3A_105 : vector<16xf32>
    %get3A_107 = arith.constant 800 : index
    %get3A_108 = vector.load %arg0[%get3A_107] : memref<1024xf32, #tpu.memory_space<vmem>>, vector<16xf32>
    %add3A_109 = arith.addf %add3A_103, %get3A_108 : vector<16xf32>
    %get3A_110 = arith.constant 304 : index
    %get3A_111 = vector.load %arg0[%get3A_110] : memref<1024xf32, #tpu.memory_space<vmem>>, vector<16xf32>
    %add3A_112 = arith.addf %add3A_106, %get3A_111 : vector<16xf32>
    %get3A_113 = arith.constant 816 : index
    %get3A_114 = vector.load %arg0[%get3A_113] : memref<1024xf32, #tpu.memory_space<vmem>>, vector<16xf32>
    %add3A_115 = arith.addf %add3A_109, %get3A_114 : vector<16xf32>
    %get3A_116 = arith.constant 320 : index
    %get3A_117 = vector.load %arg0[%get3A_116] : memref<1024xf32, #tpu.memory_space<vmem>>, vector<16xf32>
    %add3A_118 = arith.addf %add3A_112, %get3A_117 : vector<16xf32>
    %get3A_119 = arith.constant 832 : index
    %get3A_120 = vector.load %arg0[%get3A_119] : memref<1024xf32, #tpu.memory_space<vmem>>, vector<16xf32>
    %add3A_121 = arith.addf %add3A_115, %get3A_120 : vector<16xf32>
    %get3A_122 = arith.constant 336 : index
    %get3A_123 = vector.load %arg0[%get3A_122] : memref<1024xf32, #tpu.memory_space<vmem>>, vector<16xf32>
    %add3A_124 = arith.addf %add3A_118, %get3A_123 : vector<16xf32>
    %get3A_125 = arith.constant 848 : index
    %get3A_126 = vector.load %arg0[%get3A_125] : memref<1024xf32, #tpu.memory_space<vmem>>, vector<16xf32>
    %add3A_127 = arith.addf %add3A_121, %get3A_126 : vector<16xf32>
    %get3A_128 = arith.constant 352 : index
    %get3A_129 = vector.load %arg0[%get3A_128] : memref<1024xf32, #tpu.memory_space<vmem>>, vector<16xf32>
    %add3A_130 = arith.addf %add3A_124, %get3A_129 : vector<16xf32>
    %get3A_131 = arith.constant 864 : index
    %get3A_132 = vector.load %arg0[%get3A_131] : memref<1024xf32, #tpu.memory_space<vmem>>, vector<16xf32>
    %add3A_133 = arith.addf %add3A_127, %get3A_132 : vector<16xf32>
    %get3A_134 = arith.constant 368 : index
    %get3A_135 = vector.load %arg0[%get3A_134] : memref<1024xf32, #tpu.memory_space<vmem>>, vector<16xf32>
    %add3A_136 = arith.addf %add3A_130, %get3A_135 : vector<16xf32>
    %get3A_137 = arith.constant 880 : index
    %get3A_138 = vector.load %arg0[%get3A_137] : memref<1024xf32, #tpu.memory_space<vmem>>, vector<16xf32>
    %add3A_139 = arith.addf %add3A_133, %get3A_138 : vector<16xf32>
    %get3A_140 = arith.constant 384 : index
    %get3A_141 = vector.load %arg0[%get3A_140] : memref<1024xf32, #tpu.memory_space<vmem>>, vector<16xf32>
    %add3A_142 = arith.addf %add3A_136, %get3A_141 : vector<16xf32>
    %get3A_143 = arith.constant 896 : index
    %get3A_144 = vector.load %arg0[%get3A_143] : memref<1024xf32, #tpu.memory_space<vmem>>, vector<16xf32>
    %add3A_145 = arith.addf %add3A_139, %get3A_144 : vector<16xf32>
    %get3A_146 = arith.constant 400 : index
    %get3A_147 = vector.load %arg0[%get3A_146] : memref<1024xf32, #tpu.memory_space<vmem>>, vector<16xf32>
    %add3A_148 = arith.addf %add3A_142, %get3A_147 : vector<16xf32>
    %get3A_149 = arith.constant 912 : index
    %get3A_150 = vector.load %arg0[%get3A_149] : memref<1024xf32, #tpu.memory_space<vmem>>, vector<16xf32>
    %add3A_151 = arith.addf %add3A_145, %get3A_150 : vector<16xf32>
    %get3A_152 = arith.constant 416 : index
    %get3A_153 = vector.load %arg0[%get3A_152] : memref<1024xf32, #tpu.memory_space<vmem>>, vector<16xf32>
    %add3A_154 = arith.addf %add3A_148, %get3A_153 : vector<16xf32>
    %get3A_155 = arith.constant 928 : index
    %get3A_156 = vector.load %arg0[%get3A_155] : memref<1024xf32, #tpu.memory_space<vmem>>, vector<16xf32>
    %add3A_157 = arith.addf %add3A_151, %get3A_156 : vector<16xf32>
    %get3A_158 = arith.constant 432 : index
    %get3A_159 = vector.load %arg0[%get3A_158] : memref<1024xf32, #tpu.memory_space<vmem>>, vector<16xf32>
    %add3A_160 = arith.addf %add3A_154, %get3A_159 : vector<16xf32>
    %get3A_161 = arith.constant 944 : index
    %get3A_162 = vector.load %arg0[%get3A_161] : memref<1024xf32, #tpu.memory_space<vmem>>, vector<16xf32>
    %add3A_163 = arith.addf %add3A_157, %get3A_162 : vector<16xf32>
    %get3A_164 = arith.constant 448 : index
    %get3A_165 = vector.load %arg0[%get3A_164] : memref<1024xf32, #tpu.memory_space<vmem>>, vector<16xf32>
    %add3A_166 = arith.addf %add3A_160, %get3A_165 : vector<16xf32>
    %get3A_167 = arith.constant 960 : index
    %get3A_168 = vector.load %arg0[%get3A_167] : memref<1024xf32, #tpu.memory_space<vmem>>, vector<16xf32>
    %add3A_169 = arith.addf %add3A_163, %get3A_168 : vector<16xf32>
    %get3A_170 = arith.constant 464 : index
    %get3A_171 = vector.load %arg0[%get3A_170] : memref<1024xf32, #tpu.memory_space<vmem>>, vector<16xf32>
    %add3A_172 = arith.addf %add3A_166, %get3A_171 : vector<16xf32>
    %get3A_173 = arith.constant 976 : index
    %get3A_174 = vector.load %arg0[%get3A_173] : memref<1024xf32, #tpu.memory_space<vmem>>, vector<16xf32>
    %add3A_175 = arith.addf %add3A_169, %get3A_174 : vector<16xf32>
    %get3A_176 = arith.constant 480 : index
    %get3A_177 = vector.load %arg0[%get3A_176] : memref<1024xf32, #tpu.memory_space<vmem>>, vector<16xf32>
    %add3A_178 = arith.addf %add3A_172, %get3A_177 : vector<16xf32>
    %get3A_179 = arith.constant 992 : index
    %get3A_180 = vector.load %arg0[%get3A_179] : memref<1024xf32, #tpu.memory_space<vmem>>, vector<16xf32>
    %add3A_181 = arith.addf %add3A_175, %get3A_180 : vector<16xf32>
    %get3A_182 = arith.constant 496 : index
    %get3A_183 = vector.load %arg0[%get3A_182] : memref<1024xf32, #tpu.memory_space<vmem>>, vector<16xf32>
    %add3A_184 = arith.addf %add3A_178, %get3A_183 : vector<16xf32>
    %get3A_185 = arith.constant 1008 : index
    %get3A_186 = vector.load %arg0[%get3A_185] : memref<1024xf32, #tpu.memory_space<vmem>>, vector<16xf32>
    %add3A_187 = arith.addf %add3A_181, %get3A_186 : vector<16xf32>
    %reduce_sum3A = vector.shape_cast %add3A_184 : vector<16xf32> to vector<1x16xf32>
    %reduce_sum3A_188 = arith.constant dense<0.000000e+00> : vector<1xf32>
    %reduce_sum3A_189 = vector.multi_reduction <add>, %reduce_sum3A, %reduce_sum3A_188 [1] : vector<1x16xf32> to vector<1xf32>
    %reduce_sum3A_190 = vector.shape_cast %reduce_sum3A_189 : vector<1xf32> to vector<1x1xf32>
    %reduce_sum3A_191 = vector.extract %reduce_sum3A_190[0, 0] : f32 from vector<1x1xf32>
    %reduce_sum3A_192 = vector.shape_cast %add3A_187 : vector<16xf32> to vector<1x16xf32>
    %reduce_sum3A_193 = arith.constant dense<0.000000e+00> : vector<1xf32>
    %reduce_sum3A_194 = vector.multi_reduction <add>, %reduce_sum3A_192, %reduce_sum3A_193 [1] : vector<1x16xf32> to vector<1xf32>
    %reduce_sum3A_195 = vector.shape_cast %reduce_sum3A_194 : vector<1xf32> to vector<1x1xf32>
    %reduce_sum3A_196 = vector.extract %reduce_sum3A_195[0, 0] : f32 from vector<1x1xf32>
    %div3A = vector.broadcast %reduce_sum3A_191 : f32 to vector<16xf32>
    %div3A_197 = arith.divf %add3A_184, %div3A : vector<16xf32>
    %div3A_198 = vector.broadcast %reduce_sum3A_196 : f32 to vector<16xf32>
    %div3A_199 = arith.divf %add3A_187, %div3A_198 : vector<16xf32>
    %sub3A = arith.subf %div3A_197, %div3A_199 : vector<16xf32>
    %mul3A = arith.mulf %sub3A, %sub3A : vector<16xf32>
    %reduce_sum3A_200 = vector.shape_cast %mul3A : vector<16xf32> to vector<1x16xf32>
    %reduce_sum3A_201 = arith.constant dense<0.000000e+00> : vector<1xf32>
    %reduce_sum3A_202 = vector.multi_reduction <add>, %reduce_sum3A_200, %reduce_sum3A_201 [1] : vector<1x16xf32> to vector<1xf32>
    %reduce_sum3A_203 = vector.shape_cast %reduce_sum3A_202 : vector<1xf32> to vector<1x1xf32>
    %reduce_sum3A_204 = vector.extract %reduce_sum3A_203[0, 0] : f32 from vector<1x1xf32>
    %swap3A = arith.constant 0 : index
    %swap3A_205 = arith.constant 0 : index
    %swap3A_206 = memref.load %arg1[%swap3A, %swap3A_205] : memref<1x1xf32, #tpu.memory_space<smem>>
    memref.store %reduce_sum3A_204, %arg1[%swap3A, %swap3A_205] : memref<1x1xf32, #tpu.memory_space<smem>>
    return
  }
}

</mosaic_0001>

<sc_bundles>
// kernel: kernel.4.cloned.1.call-start
scs
__scs_entry_jumppad:
0x0: {  	(pc) =	sbr.rel $0x88, $3  }
0x1: {  	(tag) =	ssettag $0x0;
	lr =	simm.s32 $0x1  }
0x2: {  	[smem:$0x3F9F] =	sst lr;
	_ =	strace $0xD0000000  }
0x3: {  	_ = 	snop  }
0x4: {  	_ = 	snop  }
0x5: {  	_ = 	snop  }
0x6: {  	_ = 	snop  }
0x7: {  	_ = 	snop  }
__scs_overlays_trampoline_lowered:
0x8: {  	[smem:$0x3FAE] =	sst s0  }
0x9: {  	[smem:$0x3FAF] =	sst s1  }
0xa: {  	[smem:$0x3FB0] =	sst s2  }
0xb: {  	[smem:$0x3FB1] =	sst s3  }
0xc: {  	[smem:$0x3FB2] =	sst s4  }
0xd: {  	[smem:$0x3FB3] =	sst s5  }
0xe: {  	[smem:$0x3FB4] =	sst s6  }
0xf: {  	[smem:$0x3FB5] =	sst s7  }
0x10: {  	[smem:$0x3FB6] =	sst s8  }
0x11: {  	[smem:$0x3FB7] =	sst s9;
	s0 =	simm.s32 @!p0 $0x0  }
0x12: {  	s1 =	sld [smem:$0x3F9D];
	s0 =	simm.s32 @p0 $0x1  }
0x13: {  	[smem:$0x3FB8] =	sst s0;
	s0 =	simm.s32 @!p1 $0x0  }
0x14: {  	s2 =	sld [smem:$0x3F9C];
	s0 =	simm.s32 @p1 $0x1  }
0x15: {  	[smem:$0x3FB9] =	sst s0;
	s0 =	simm.s32 @!p2 $0x0  }
0x16: {  	s3 =	sld [smem:$0x3FDB];
	s0 =	simm.s32 @p2 $0x1  }
0x17: {  	s4 =	simm.s32 $0x1BF5;
	[smem:$0x3FBB] =	sst s0  }
0x18: {  	s0 =	sld [smem:$0x3F9E];
	_ =	swait.ge [sflag:s4], $0x0  }
0x19: {  	s7 =	sld [smem:$0x3F9F]  }
0x1a: {  	s8 =	sadd.s32 $0xFFFFE003, lr  }
0x1b: {  	s9 =	sadd.s32 $0xFFFFFEF7, lr;
	s5 =	simm.s32 $0xFFFFFFFF;
	p2 =	slt.u32 s8, $0xFFFFF086  }
0x1c: {  	p1 =	slt.u32 s9, $0xF7A;
	s5 =	simm.s32 @!p2 $0x0  }
0x1d: {  	s5 =	simm.s32 @p1 $0x1;
	p0 =	seq.s32 s7, s2  }
0x1e: {  	s7 =	smul.u32 @!p0 $0xF7A, s2;
	p2 =	seq.s32 @!p0 s5, $0x0  }
0x1f: {  	s9 =	smul.u32 $0xF7A, s1;
	s8 =	simm.s32 @!p0 $0x1BF5;
	p2 =	por !p2, p0  }
0x20: {  	[sflag:s8] =	ssyncset.s32 @!p0 $0xFFFFF086;
	s6 =	sadd.s32 @!p0 s3, s7;
	s7 =	simm.s32 @!p0 $0x108  }
0x21: {  	s3 =	sadd.s32 s3, s9;
	s6 =	sadd.s32 @!p0 $0x88, s6;
	s7 =	simm.s32 @p2 $0x1082  }
0x22: {  	[simem:s7], [sflag:s8] =	dma.local @!p0 [hbm:s6], $0xF7A  }
0x23: {  	s9 =	sor.u32 $0xD0000000, s2;
	s6 =	simm.s32 $0x108;
	_ =	swait.ge @!p0 [sflag:s8], $0x0  }
0x24: {  	s3 =	sadd.s32 $0x88, s3;
	s6 =	simm.s32 @!p1 $0x1082;
	[sflag:s4] =	ssyncset.s32 $0xFFFFF086  }
0x25: {  	[simem:s6], [sflag:s4] =	dma.local [hbm:s3], $0xF7A  }
0x26: {  	[smem:$0x3F9F] =	sst s1;
	(tag) =	ssettag s2;
	_ =	strace s9  }
0x27: {  	s1 =	sld [smem:$0x3FAF]  }
0x28: {  	s2 =	sld [smem:$0x3FB0]  }
0x29: {  	s4 =	sld [smem:$0x3FB2]  }
0x2a: {  	p0 =	seq.s32 s5, $0x0;
	s5 =	sld [smem:$0x3FB3]  }
0x2b: {  	s6 =	sld [smem:$0x3FB4]  }
0x2c: {  	s7 =	sld [smem:$0x3FB5]  }
0x2d: {  	s3 =	simm.s32 $0x108;
	s8 =	sld [smem:$0x3FB6]  }
0x2e: {  	s3 =	simm.s32 @!p0 $0x1082;
	s9 =	sld [smem:$0x3FB7]  }
0x2f: {  	lr =	sadd.s32 s0, s3;
	s0 =	sld [smem:$0x3FAE]  }
0x30: {  	s3 =	sld [smem:$0x3FB1]  }
0x31: {  	[smem:$0x3FBA] =	sst s10  }
0x32: {  	s10 =	sld [smem:$0x3FB8];
	_ =	sdelay $0x3  }
0x33: {  	p0 =	seq.s32 s10, $0x1;
	s10 =	sld [smem:$0x3FBA];
	_ =	sdelay $0x3  }
0x34: {  	[smem:$0x3FBA] =	sst s10  }
0x35: {  	s10 =	sld [smem:$0x3FB9];
	_ =	sdelay $0x3  }
0x36: {  	p1 =	seq.s32 s10, $0x1;
	s10 =	sld [smem:$0x3FBA];
	_ =	sdelay $0x3  }
0x37: {  	[smem:$0x3FBA] =	sst s10  }
0x38: {  	s10 =	sld [smem:$0x3FBB]  }
0x39: {  	_ = 	snop;
	(pc) =	sbr.ind lr, $3  }
0x3a: {  	_ = 	snop  }
0x3b: {  	_ = 	snop  }
0x3c: {  	p2 =	seq.s32 s10, $0x1;
	s10 =	sld [smem:$0x3FBA]  }
0x3d: {  	_ =	shalt  }
0x3e: {  	_ =	shalt  }
0x3f: {  	_ =	shalt  }
0x40: {  	_ =	shalt  }
0x41: {  	_ =	shalt  }
0x42: {  	_ =	shalt  }
0x43: {  	_ =	shalt  }
0x44: {  	_ =	shalt  }
0x45: {  	_ =	shalt  }
0x46: {  	_ =	shalt  }
0x47: {  	_ =	shalt  }
0x48: {  	_ =	shalt  }
0x49: {  	_ =	shalt  }
0x4a: {  	_ =	shalt  }
0x4b: {  	_ =	shalt  }
0x4c: {  	_ =	shalt  }
0x4d: {  	_ =	shalt  }
0x4e: {  	_ =	shalt  }
0x4f: {  	_ =	shalt  }
0x50: {  	_ =	shalt  }
0x51: {  	_ =	shalt  }
0x52: {  	_ =	shalt  }
0x53: {  	_ =	shalt  }
0x54: {  	_ =	shalt  }
0x55: {  	_ =	shalt  }
0x56: {  	_ =	shalt  }
0x57: {  	_ =	shalt  }
0x58: {  	_ =	shalt  }
0x59: {  	_ =	shalt  }
0x5a: {  	_ =	shalt  }
0x5b: {  	_ =	shalt  }
0x5c: {  	_ =	shalt  }
0x5d: {  	_ =	shalt  }
0x5e: {  	_ =	shalt  }
0x5f: {  	_ =	shalt  }
0x60: {  	_ =	shalt  }
0x61: {  	_ =	shalt  }
0x62: {  	_ =	shalt  }
0x63: {  	_ =	shalt  }
0x64: {  	_ =	shalt  }
0x65: {  	_ =	shalt  }
0x66: {  	_ =	shalt  }
0x67: {  	_ =	shalt  }
0x68: {  	_ =	shalt  }
0x69: {  	_ =	shalt  }
0x6a: {  	_ =	shalt  }
0x6b: {  	_ =	shalt  }
0x6c: {  	_ =	shalt  }
0x6d: {  	_ =	shalt  }
0x6e: {  	_ =	shalt  }
0x6f: {  	_ =	shalt  }
0x70: {  	_ =	shalt  }
0x71: {  	_ =	shalt  }
0x72: {  	_ =	shalt  }
0x73: {  	_ =	shalt  }
0x74: {  	_ =	shalt  }
0x75: {  	_ =	shalt  }
0x76: {  	_ =	shalt  }
0x77: {  	_ =	shalt  }
0x78: {  	_ =	shalt  }
0x79: {  	_ =	shalt  }
0x7a: {  	_ =	shalt  }
0x7b: {  	_ =	shalt  }
0x7c: {  	_ =	shalt  }
0x7d: {  	_ =	shalt  }
0x7e: {  	_ =	shalt  }
0x7f: {  	_ =	shalt  }
0x80: {  	_ =	shalt  }
0x81: {  	_ =	shalt  }
0x82: {  	_ =	shalt  }
0x83: {  	_ =	shalt  }
0x84: {  	_ =	shalt  }
0x85: {  	_ =	shalt  }
0x86: {  	_ =	shalt  }
0x87: {  	_ =	shalt  }
.Lfunc_end0:
.L_simem_size_0:
called_computation_lowered:
.L_overlay_start_0:
0x88: {  	s2 =	sld [smem:$0x3FD9]  }
0x89: {  	s3 =	sld [smem:$0x3FFE];
	_ =	sdelay $0x1  }
0x8a: {  	s1 =	srdreg.scid  }
0x8b: {  	s0 =	sand.u32 $0x1, s1  }
0x8c: {  	s17 =	sshll.u32 s0, $0xA;
	s2 =	sadd.s32 s3, s2  }
0x8d: {  	s2 =	sadd.s32 s2, s17  }
0x8e: {  	[smem:$0x3FC6] =	sst s2  }
0x8f: {  	_ = 	snop  }
0x90: {  	s2 =	sld [smem:$0x3FC9]  }
0x91: {  	s18 =	sld [smem:$0x3FC8];
	(tm) =	ssettm $0x1  }
0x92: {  	s4 =	sld [smem:$0x3FFB];
	_ =	sdelay $0x3  }
0x93: {  	_ =	strace s4  }
0x94: {  	s4 =	sld [smem:$0x3FFC];
	_ =	sdelay $0x3  }
0x95: {  	_ =	strace s4  }
0x96: {  	s4 =	sld [smem:$0x3FFD];
	_ =	sdelay $0x3  }
0x97: {  	_ =	strace s4  }
0x98: {  	_ =	strace $0x8FFFFFFF  }
0x99: {  	s19 =	sld [smem:$0x3FDB];
	_ =	sdelay $0x1  }
0x9a: {  	s5 =	simm.s32 $_scs_section_size  }
0x9b: {  	s6 =	simm.s32 $_size__tile_overlayer_lowered;
	s7 =	simm.s32 $_tile_overlayer_lowered  }
0x9c: {  	s22 =	simm.s32 $0x1BFF;
	s21 =	sshll.u32 s7, $0x1;
	s4 =	sadd.s32 s5, s19  }
0x9d: {  	s8 =	simm.s32 $0x0;
	s20 =	sshll.u32 s6, $0x1;
	s6 =	sadd.s32 s21, s4  }
0x9e: {  	[timem:s8], [sflag:s22] =	dma.local [hbm:s6], s20  }
0x9f: {  	_ =	swait.ge [sflag:s22], s20  }
0xa0: {  	s5 =	ssub.s32 $0x0, s20;
	[sflag:s22] =	ssyncset.done $0x0  }
0xa1: {  	[sflag:s22] =	ssyncadd.s32 s5;
	_ =	sdelay $0x1  }
0xa2: {  	s23 =	simm.s32 $0x1B8B  }
0xa3: {  	_ =	swait.ge [sflag:s23], $0x1  }
0xa4: {  	[sflag:s23] =	ssyncset.done $0x0  }
0xa5: {  	s25 =	simm.s32 $0x1B8E;
	s24 =	sld [smem:$0x3FFE];
	[sflag:s23] =	ssyncadd.s32 $0xFFFFFFFF  }
0xa6: {  	s26 =	simm.s32 $execute0_lowered;
	[smem:$0x3FD2] =	sst s25  }
0xa7: {  	s6 =	sshll.u32 s26, $0x1;
	_ =	strace $0x80000046;
	[dreg:$0x1] =	wrdreg $0xFFFFFFFF  }
0xa8: {  	s28 =	simm.s32 $_size_execute0_lowered;
	s4 =	sadd.s32 s4, s6;
	[dreg:$0x0] =	wrdreg $0x0  }
0xa9: {  	s6 =	sshll.u32 s28, $0x1;
	[dreg:$0x2] =	wrdreg s4  }
0xaa: {  	[dreg:$0x3] =	wrdreg s6  }
0xab: {  	[dreg:$0x4] =	wrdreg $0xC0  }
0xac: {  	_ =	task [dreg:s8], $0x5FFFF  }
0xad: {  	[dreg:$0x1] =	wrdreg $0xFFFFFFFF  }
0xae: {  	[dreg:$0x0] =	wrdreg $0x60  }
0xaf: {  	[dreg:$0x2] =	wrdreg s2  }
0xb0: {  	[dreg:$0x3] =	wrdreg s18  }
0xb1: {  	[dreg:$0x4] =	wrdreg s24  }
0xb2: {  	[dreg:$0x5] =	wrdreg $0x9  }
0xb3: {  	_ =	task.clear_ibuf [dreg:s8], $0x6FFFF;
	_ =	strace $0x90000046  }
0xb4: {  	s29 =	simm.s32 $0x9;
	_ =	strace $0x80000048  }
0xb5: {  	_ =	swait.ge [sflag:s29], $0x1  }
0xb6: {  	[sflag:s29] =	ssyncadd.s32 $0xFFFFFFFF  }
0xb7: {  	_ =	strace $0x90000048  }
0xb8: {  	_ =	sfence  }
0xb9: {  	s30 =	sld [smem:$0x0];
	_ =	sdelay $0x2  }
0xba: {  	s31 =	sshll.u32 s1, $0xD;
	s1 =	sshrl.u32 s1, $0x2  }
0xbb: {  	s3 =	sand.u32 $0x4000, s31;
	s1 =	sadd.s32 s1, s30  }
0xbc: {  	s0 =	sor.u32 s3, s0;
	s1 =	sshll.u32 s1, $0x11  }
0xbd: {  	s0 =	sor.u32 s1, s0  }
0xbe: {  	s0 =	sadd.s32 $0x8F2B, s0  }
0xbf: {  	[sflag:s0] =	ssyncadd.remote.s32 $0x1  }
0xc0: {  	_ =	sfence.sel $0xFFFF  }
0xc1: {  	[dreg:$0x0] =	wrdreg $0xFFFFFFFF;
	(pc) =	sbr.abs _section_cstart, $3  }
0xc2: {  	[dreg:$0x1] =	wrdreg $0xFFFFFFFF  }
0xc3: {  	_ =	task.clear_ibuf [dreg:s8], $0x2FFFF;
	_ =	strace $0x9FFFFFFF  }
0xc4: {  	(tm) =	ssettm $0x7FFFFFFF  }
0xc5: {  	_ =	shalt  }
tec
execute0_lowered:
.L_overlay_start_1:
0x0: {  	(tag) =	ssettag $0x1  }
0x1: {  	s14 =	rddreg [dreg:$0x0]  }
0x2: {  	s1 =	srdreg.scid;
	s0 =	stileid.u32  }
0x3: {  	s16 =	rddreg [dreg:$0x1];
	s24 =	sand.u32 $0x1, s1;
	s3 =	sshll.u32 s0, $0x1  }
0x4: {  	s19 =	rddreg [dreg:$0x2];
	s2 =	simm.s32 $0x0;
	s20 =	sor.u32 s24, s3  }
0x5: {  	[smem:$0x7FF] =	sst s2;
	s13 =	sshll.u32 s20, $0xC  }
0x6: {  	s1 =	rddreg [dreg:$0x3];
	_ =	strace $0x80000047;
	s3 =	sadd.s32 s14, s13  }
0x7: {  	[tilespmem:s2], [sflag:$0x1] =	stream.linear.gather [hbm4b:s3+s2], $0x2000, $0x38;
	[tilespmem:$0x10280] =	vst v63  }
0x8: {  	s5 =	simm.s32 $0x8000;
	s4 =	sadd.s32 s16, s13;
	s8 =	sor.u32 $0x400, s13  }
0x9: {  	[tilespmem:s5], [sflag:$0x1] =	stream.linear.gather [hbm4b:s4+s2], $0x2000, $0x38;
	[tilespmem:$0x10280] =	vst v63  }
0xa: {  	s7 =	simm.s32 $0x2000;
	s6 =	sadd.s32 s14, s8  }
0xb: {  	[tilespmem:s7], [sflag:$0x2] =	stream.linear.gather [hbm4b:s6+s2], $0x2000, $0x38;
	[tilespmem:$0x10280] =	vst v63  }
0xc: {  	s9 =	simm.s32 $0xA000;
	s12 =	sor.u32 $0x800, s13;
	s8 =	sadd.s32 s16, s8  }
0xd: {  	[tilespmem:s9], [sflag:$0x2] =	stream.linear.gather [hbm4b:s8+s2], $0x2000, $0x38;
	[tilespmem:$0x10280] =	vst v63  }
0xe: {  	s11 =	simm.s32 $0x4000;
	s10 =	sadd.s32 s14, s12  }
0xf: {  	[tilespmem:s11], [sflag:$0x3] =	stream.linear.gather [hbm4b:s10+s2], $0x2000, $0x38;
	[tilespmem:$0x10280] =	vst v63  }
0x10: {  	s17 =	sor.u32 $0xC00, s13;
	s13 =	simm.s32 $0xC000;
	s12 =	sadd.s32 s16, s12  }
0x11: {  	[tilespmem:s13], [sflag:$0x3] =	stream.linear.gather [hbm4b:s12+s2], $0x2000, $0x38;
	[tilespmem:$0x10280] =	vst v63  }
0x12: {  	s15 =	simm.s32 $0x6000;
	s14 =	sadd.s32 s14, s17  }
0x13: {  	[tilespmem:s15], [sflag:$0x4] =	stream.linear.gather [hbm4b:s14+s2], $0x2000, $0x38;
	[tilespmem:$0x10280] =	vst v63  }
0x14: {  	s16 =	sadd.s32 s16, s17;
	s17 =	simm.s32 $0xE000  }
0x15: {  	v0 =	vimm.f32 $0.0e+00;
	[tilespmem:s17], [sflag:$0x4] =	stream.linear.gather [hbm4b:s16+s2], $0x2000, $0x38;
	[tilespmem:$0x10280] =	vst v63  }
0x16: {  	[tilespmem:$0x101F0] =	vst v0  }
0x17: {  	[tilespmem:$0x101E0] =	vst v0  }
0x18: {  	[tilespmem:$0x101D0] =	vst v0  }
0x19: {  	[tilespmem:$0x101C0] =	vst v0  }
0x1a: {  	[tilespmem:$0x101B0] =	vst v0  }
0x1b: {  	[tilespmem:$0x101A0] =	vst v0  }
0x1c: {  	[tilespmem:$0x10190] =	vst v0  }
0x1d: {  	[tilespmem:$0x10180] =	vst v0  }
0x1e: {  	[tilespmem:$0x10170] =	vst v0  }
0x1f: {  	[tilespmem:$0x10160] =	vst v0  }
0x20: {  	[tilespmem:$0x10150] =	vst v0  }
0x21: {  	[tilespmem:$0x10140] =	vst v0  }
0x22: {  	[tilespmem:$0x10130] =	vst v0  }
0x23: {  	[tilespmem:$0x10120] =	vst v0  }
0x24: {  	[tilespmem:$0x10110] =	vst v0  }
0x25: {  	[tilespmem:$0x10100] =	vst v0  }
0x26: {  	[tilespmem:$0x100F0] =	vst v0  }
0x27: {  	[tilespmem:$0x100E0] =	vst v0  }
0x28: {  	[tilespmem:$0x100D0] =	vst v0  }
0x29: {  	[tilespmem:$0x100C0] =	vst v0  }
0x2a: {  	[tilespmem:$0x100B0] =	vst v0  }
0x2b: {  	[tilespmem:$0x100A0] =	vst v0  }
0x2c: {  	[tilespmem:$0x10090] =	vst v0  }
0x2d: {  	[tilespmem:$0x10080] =	vst v0  }
0x2e: {  	[tilespmem:$0x10070] =	vst v0  }
0x2f: {  	[tilespmem:$0x10060] =	vst v0  }
0x30: {  	[tilespmem:$0x10050] =	vst v0  }
0x31: {  	[tilespmem:$0x10040] =	vst v0  }
0x32: {  	[tilespmem:$0x10030] =	vst v0  }
0x33: {  	[tilespmem:$0x10020] =	vst v0  }
0x34: {  	[tilespmem:$0x10000] =	vst v0  }
0x35: {  	s18 =	simm.s32 $0x1;
	[tilespmem:$0x10010] =	vst v0  }
0x36: {  	_ =	swait.ge [sflag:s18], $0x2000  }
0x37: {  	[sflag:s18] =	ssyncset.done $0x0  }
0x38: {  	[sflag:s18] =	ssyncadd.s32 $0xFFFFE000  }
0x39: {  	_ =	swait.ge [sflag:s18], $0x2000  }
0x3a: {  	[sflag:s18] =	ssyncset.done $0x0  }
0x3b: {  	s21 =	simm.s32 $0x2;
	[sflag:s18] =	ssyncadd.s32 $0xFFFFE000  }
0x3c: {  	_ =	swait.ge [sflag:s21], $0x2000  }
0x3d: {  	[sflag:s21] =	ssyncset.done $0x0  }
0x3e: {  	[sflag:s21] =	ssyncadd.s32 $0xFFFFE000  }
0x3f: {  	_ =	swait.ge [sflag:s21], $0x2000  }
0x40: {  	[sflag:s21] =	ssyncset.done $0x0  }
0x41: {  	s22 =	simm.s32 $0x3;
	[sflag:s21] =	ssyncadd.s32 $0xFFFFE000  }
0x42: {  	_ =	swait.ge [sflag:s22], $0x2000  }
0x43: {  	[sflag:s22] =	ssyncset.done $0x0  }
0x44: {  	[sflag:s22] =	ssyncadd.s32 $0xFFFFE000  }
0x45: {  	_ =	swait.ge [sflag:s22], $0x2000  }
0x46: {  	[sflag:s22] =	ssyncset.done $0x0  }
0x47: {  	s23 =	simm.s32 $0x4;
	[sflag:s22] =	ssyncadd.s32 $0xFFFFE000  }
0x48: {  	_ =	swait.ge [sflag:s23], $0x2000  }
0x49: {  	[sflag:s23] =	ssyncset.done $0x0  }
0x4a: {  	[sflag:s23] =	ssyncadd.s32 $0xFFFFE000  }
0x4b: {  	_ =	swait.ge [sflag:s23], $0x2000  }
0x4c: {  	s20 =	sshll.u32 s20, $0x1;
	[sflag:s23] =	ssyncset.done $0x0  }
0x4d: {  	s26 =	sadd.s32 s20, s19;
	[sflag:s23] =	ssyncadd.s32 $0xFFFFE000  }
0x4e: {  	s19 =	simm.s32 $0x10200;
	s20 =	simm.s32 $0x5;
	s25 =	sadd.s32 $0x600, s26;
	[tilespmem:$0x10200] =	vst v0  }
0x4f: {  	[hbm4b:s25+s2] =	stream.linear.scatter [tilespmem:s19], [sflag:$0x5], $0x10, $0x38;
	[tilespmem:$0x10280] =	vst v63  }
0x50: {  	s24 =	ssub.s32 $0x2, s24;
	_ =	swait.ge [sflag:s20], $0x10  }
0x51: {  	s28 =	sshrl.u32 s24, $0x1;
	[sflag:s20] =	ssyncset.done $0x0  }
0x52: {  	s24 =	ssub.s32 s24, s28;
	[sflag:s20] =	ssyncadd.s32 $0xFFFFFFF0  }
0x53: {  	s28 =	smax.u32 s24, $0x1;
	v4 =	vld [tilespmem:$0x10100]  }
0x54: {  	p0 =	sne.s32 s28, $0x1;
	v5 =	vld [tilespmem:$0x10110]  }
.Ltmp0:
0x55: {  	_ = 	snop;
	(pc) =	sbr.rel @!p0 .LBB2_2-.Ltmp0, $4  }
0x56: {  	v2 =	vld [tilespmem:$0x10120]  }
0x57: {  	v1 =	vld [tilespmem:$0x10150]  }
0x58: {  	v3 =	vld [tilespmem:$0x10130]  }
0x59: {  	s24 =	sadd.s32 $0x640, s26;
	s26 =	sadd.s32 $0xFFFFFFFF, s28;
	v5 =	vadd.f32 v5, v4;
	v4 =	vld [tilespmem:$0x10140]  }
.LBB2_1:
0x5a: {  	_ = 	snop  }
0x5b: {  	p0 =	sne.s32 s26, $0x1;
	s26 =	sadd.s32 $0xFFFFFFFF, s26;
	v2 =	vadd.f32 v2, v5;
	_ =	sdelay $0x1  }
0x5c: {  	v2 =	vadd.f32 v3, v2;
	v3 =	vld [tilespmem:$0x10160];
	_ =	sdelay $0x1  }
0x5d: {  	v2 =	vadd.f32 v4, v2;
	v4 =	vld [tilespmem:$0x10170];
	_ =	sdelay $0x1  }
0x5e: {  	v1 =	vadd.f32 v1, v2;
	v2 =	vld [tilespmem:$0x10180];
	_ =	sdelay $0x1  }
0x5f: {  	v1 =	vadd.f32 v3, v1;
	v3 =	vld [tilespmem:$0x10190];
	_ =	sdelay $0x1  }
0x60: {  	v1 =	vadd.f32 v4, v1;
	v4 =	vld [tilespmem:$0x101A0];
	_ =	sdelay $0x1  }
0x61: {  	v1 =	vadd.f32 v2, v1;
	v2 =	vld [tilespmem:$0x101B0];
	_ =	sdelay $0x1  }
0x62: {  	v1 =	vadd.f32 v3, v1;
	v3 =	vld [tilespmem:$0x101C0];
	_ =	sdelay $0x1  }
0x63: {  	v1 =	vadd.f32 v4, v1;
	v4 =	vld [tilespmem:$0x101D0];
	_ =	sdelay $0x1  }
0x64: {  	v1 =	vadd.f32 v2, v1;
	v2 =	vld [tilespmem:$0x101E0];
	_ =	sdelay $0x1  }
0x65: {  	v1 =	vadd.f32 v3, v1;
	v3 =	vld [tilespmem:$0x101F0];
	_ =	sdelay $0x1  }
0x66: {  	v1 =	vadd.f32 v4, v1;
	_ =	sdelay $0x1  }
0x67: {  	v1 =	vadd.f32 v2, v1;
	_ =	sdelay $0x1  }
0x68: {  	v1 =	vadd.f32 v3, v1;
	_ =	sdelay $0x1  }
0x69: {  	[tilespmem:$0x10200] =	vst v1  }
0x6a: {  	[hbm4b:s24+s2] =	stream.linear.scatter [tilespmem:s19], [sflag:$0x5], $0x10, $0x38;
	[tilespmem:$0x10280] =	vst v63  }
0x6b: {  	_ =	swait.ge [sflag:s20], $0x10  }
0x6c: {  	[sflag:s20] =	ssyncset.done $0x0  }
0x6d: {  	[sflag:s20] =	ssyncadd.s32 $0xFFFFFFF0  }
0x6e: {  	[tilespmem:s2], [sflag:$0x1] =	stream.linear.gather [hbm4b:s3+s2], $0x2000, $0x38;
	[tilespmem:$0x10280] =	vst v63  }
0x6f: {  	_ = 	snop  }
0x70: {  	[tilespmem:s5], [sflag:$0x1] =	stream.linear.gather [hbm4b:s4+s2], $0x2000, $0x38;
	[tilespmem:$0x10280] =	vst v63  }
0x71: {  	_ = 	snop  }
0x72: {  	[tilespmem:s7], [sflag:$0x2] =	stream.linear.gather [hbm4b:s6+s2], $0x2000, $0x38;
	[tilespmem:$0x10280] =	vst v63  }
0x73: {  	_ = 	snop  }
0x74: {  	[tilespmem:s9], [sflag:$0x2] =	stream.linear.gather [hbm4b:s8+s2], $0x2000, $0x38;
	[tilespmem:$0x10280] =	vst v63  }
0x75: {  	_ = 	snop  }
0x76: {  	[tilespmem:s11], [sflag:$0x3] =	stream.linear.gather [hbm4b:s10+s2], $0x2000, $0x38;
	[tilespmem:$0x10280] =	vst v63  }
0x77: {  	_ = 	snop  }
0x78: {  	[tilespmem:s13], [sflag:$0x3] =	stream.linear.gather [hbm4b:s12+s2], $0x2000, $0x38;
	[tilespmem:$0x10280] =	vst v63  }
0x79: {  	_ = 	snop  }
0x7a: {  	[tilespmem:s15], [sflag:$0x4] =	stream.linear.gather [hbm4b:s14+s2], $0x2000, $0x38;
	[tilespmem:$0x10280] =	vst v63  }
0x7b: {  	_ = 	snop  }
0x7c: {  	[tilespmem:s17], [sflag:$0x4] =	stream.linear.gather [hbm4b:s16+s2], $0x2000, $0x38;
	[tilespmem:$0x10280] =	vst v63  }
0x7d: {  	[tilespmem:$0x101F0] =	vst v0  }
0x7e: {  	[tilespmem:$0x101E0] =	vst v0  }
0x7f: {  	[tilespmem:$0x101D0] =	vst v0  }
0x80: {  	[tilespmem:$0x101C0] =	vst v0  }
0x81: {  	[tilespmem:$0x101B0] =	vst v0  }
0x82: {  	[tilespmem:$0x101A0] =	vst v0  }
0x83: {  	[tilespmem:$0x10190] =	vst v0  }
0x84: {  	[tilespmem:$0x10180] =	vst v0  }
0x85: {  	[tilespmem:$0x10170] =	vst v0  }
0x86: {  	[tilespmem:$0x10160] =	vst v0  }
0x87: {  	[tilespmem:$0x10150] =	vst v0  }
0x88: {  	[tilespmem:$0x10140] =	vst v0  }
0x89: {  	[tilespmem:$0x10130] =	vst v0  }
0x8a: {  	[tilespmem:$0x10120] =	vst v0  }
0x8b: {  	[tilespmem:$0x10110] =	vst v0  }
0x8c: {  	[tilespmem:$0x10100] =	vst v0  }
0x8d: {  	[tilespmem:$0x100F0] =	vst v0  }
0x8e: {  	[tilespmem:$0x100E0] =	vst v0  }
0x8f: {  	[tilespmem:$0x100D0] =	vst v0  }
0x90: {  	[tilespmem:$0x100C0] =	vst v0  }
0x91: {  	[tilespmem:$0x100B0] =	vst v0  }
0x92: {  	[tilespmem:$0x100A0] =	vst v0  }
0x93: {  	[tilespmem:$0x10090] =	vst v0  }
0x94: {  	[tilespmem:$0x10080] =	vst v0  }
0x95: {  	[tilespmem:$0x10070] =	vst v0  }
0x96: {  	[tilespmem:$0x10060] =	vst v0  }
0x97: {  	[tilespmem:$0x10050] =	vst v0  }
0x98: {  	[tilespmem:$0x10040] =	vst v0  }
0x99: {  	[tilespmem:$0x10030] =	vst v0  }
0x9a: {  	[tilespmem:$0x10020] =	vst v0  }
0x9b: {  	[tilespmem:$0x10000] =	vst v0  }
0x9c: {  	[tilespmem:$0x10010] =	vst v0  }
0x9d: {  	_ =	swait.ge [sflag:s18], $0x2000  }
0x9e: {  	[sflag:s18] =	ssyncset.done $0x0  }
0x9f: {  	[sflag:s18] =	ssyncadd.s32 $0xFFFFE000  }
0xa0: {  	_ =	swait.ge [sflag:s18], $0x2000  }
0xa1: {  	[sflag:s18] =	ssyncset.done $0x0  }
0xa2: {  	[sflag:s18] =	ssyncadd.s32 $0xFFFFE000  }
0xa3: {  	_ =	swait.ge [sflag:s21], $0x2000  }
0xa4: {  	[sflag:s21] =	ssyncset.done $0x0  }
0xa5: {  	[sflag:s21] =	ssyncadd.s32 $0xFFFFE000  }
0xa6: {  	_ =	swait.ge [sflag:s21], $0x2000  }
0xa7: {  	[sflag:s21] =	ssyncset.done $0x0  }
0xa8: {  	[sflag:s21] =	ssyncadd.s32 $0xFFFFE000  }
0xa9: {  	_ =	swait.ge [sflag:s22], $0x2000  }
0xaa: {  	[sflag:s22] =	ssyncset.done $0x0  }
0xab: {  	[sflag:s22] =	ssyncadd.s32 $0xFFFFE000  }
0xac: {  	_ =	swait.ge [sflag:s22], $0x2000  }
0xad: {  	[sflag:s22] =	ssyncset.done $0x0  }
0xae: {  	[sflag:s22] =	ssyncadd.s32 $0xFFFFE000  }
0xaf: {  	_ =	swait.ge [sflag:s23], $0x2000  }
0xb0: {  	[sflag:s23] =	ssyncset.done $0x0  }
0xb1: {  	[sflag:s23] =	ssyncadd.s32 $0xFFFFE000  }
0xb2: {  	_ =	swait.ge [sflag:s23], $0x2000  }
0xb3: {  	[sflag:s23] =	ssyncset.done $0x0  }
0xb4: {  	[sflag:s23] =	ssyncadd.s32 $0xFFFFE000  }
0xb5: {  	[tilespmem:$0x10200] =	vst v0  }
0xb6: {  	[hbm4b:s25+s2] =	stream.linear.scatter [tilespmem:s19], [sflag:$0x5], $0x10, $0x38;
	[tilespmem:$0x10280] =	vst v63  }
0xb7: {  	_ =	swait.ge [sflag:s20], $0x10  }
0xb8: {  	[sflag:s20] =	ssyncset.done $0x0  }
0xb9: {  	[sflag:s20] =	ssyncadd.s32 $0xFFFFFFF0  }
0xba: {  	v4 =	vld [tilespmem:$0x10100]  }
0xbb: {  	v5 =	vld [tilespmem:$0x10110]  }
.Ltmp1:
0xbc: {  	v2 =	vld [tilespmem:$0x10120];
	(pc) =	sbr.rel @p0 .LBB2_1-.Ltmp1, $3  }
0xbd: {  	v1 =	vld [tilespmem:$0x10150]  }
0xbe: {  	v3 =	vld [tilespmem:$0x10130];
	_ =	sdelay $0x1  }
0xbf: {  	v5 =	vadd.f32 v5, v4;
	v4 =	vld [tilespmem:$0x10140]  }
.LBB2_2:
0xc0: {  	_ = 	snop  }
0xc1: {  	v0 =	vadd.f32 v2, v5;
	_ =	sdelay $0x1  }
0xc2: {  	v0 =	vadd.f32 v3, v0  }
0xc3: {  	v54 =	vld [tilespmem:$0x10160]  }
0xc4: {  	v0 =	vadd.f32 v4, v0  }
0xc5: {  	v55 =	vld [tilespmem:$0x10170]  }
0xc6: {  	v0 =	vadd.f32 v1, v0  }
0xc7: {  	v56 =	vld [tilespmem:$0x10180]  }
0xc8: {  	v0 =	vadd.f32 v54, v0  }
0xc9: {  	v57 =	vld [tilespmem:$0x10190]  }
0xca: {  	v0 =	vadd.f32 v55, v0  }
0xcb: {  	v58 =	vld [tilespmem:$0x101A0]  }
0xcc: {  	v0 =	vadd.f32 v56, v0  }
0xcd: {  	v59 =	vld [tilespmem:$0x101B0]  }
0xce: {  	v0 =	vadd.f32 v57, v0  }
0xcf: {  	v60 =	vld [tilespmem:$0x101C0]  }
0xd0: {  	v0 =	vadd.f32 v58, v0  }
0xd1: {  	v61 =	vld [tilespmem:$0x101D0]  }
0xd2: {  	v0 =	vadd.f32 v59, v0  }
0xd3: {  	v62 =	vld [tilespmem:$0x101E0]  }
0xd4: {  	v0 =	vadd.f32 v60, v0  }
0xd5: {  	v63 =	vld [tilespmem:$0x101F0]  }
0xd6: {  	v0 =	vadd.f32 v61, v0;
	_ =	sdelay $0x1  }
0xd7: {  	v0 =	vadd.f32 v62, v0;
	_ =	sdelay $0x1  }
0xd8: {  	v0 =	vadd.f32 v63, v0;
	_ =	sdelay $0x1  }
0xd9: {  	[tilespmem:$0x10200] =	vst v0  }
0xda: {  	[hbm4b:s24+s2] =	stream.linear.scatter [tilespmem:s19], [sflag:$0x5], $0x10, $0x38;
	[tilespmem:$0x10280] =	vst v63  }
0xdb: {  	_ =	swait.ge [sflag:s20], $0x10  }
0xdc: {  	[sflag:s20] =	ssyncset.done $0x0  }
0xdd: {  	[sflag:s20] =	ssyncadd.s32 $0xFFFFFFF0  }
0xde: {  	_ =	sfence.sel $0x180000  }
0xdf: {  	[bflag:$0x0] =	sbarrier.arrive $0xFFFF  }
0xe0: {  	p0 =	sne.s32 s0, $0x0;
	_ =	strace $0x90000047  }
0xe1: {  	s0 =	sadd.s32 @!p0 $0x100000, s1;
	[bflag:$0x2] =	sbarrier.arrive $0xFFFF  }
0xe2: {  	[sflag:s0] =	ssyncadd.tile.s32 @!p0 $0x1;
	_ =	shalt  }
.Lfunc_end2:
_tile_overlayer_lowered:
.L_overlay_start_2:
0xe3: {  	(tag) =	ssettag $0x2  }
0xe4: {  	s0 =	rddreg [dreg:$0x0];
	s2 =	stileid.u32  }
0xe5: {  	s1 =	rddreg [dreg:$0x1];
	p0 =	sne.s32 s2, $0x0  }
0xe6: {  	s3 =	rddreg [dreg:$0x2];
	[bflag:$0x3] =	sbarrier.arrive $0xFFFF;
	s2 =	simm.s32 @!p0 $0x1C05  }
0xe7: {  	[timem:s3], [sflag:s2] =	dma.local @!p0 [hbm:s0], s1  }
0xe8: {  	s0 =	simm.s32 @!p0 $0x5  }
0xe9: {  	_ =	swait.ge @!p0 [sflag:s0], s1  }
0xea: {  	s1 =	ssub.s32 @!p0 $0x0, s1;
	[sflag:s0] =	ssyncset.done @!p0 $0x0  }
0xeb: {  	[sflag:s0] =	ssyncadd.s32 @!p0 s1  }
0xec: {  	[bflag:$0x3] =	sbarrier.arrive $0xFFFF  }
0xed: {  	_ =	shalt  }

</sc_bundles>
